<compile_context>
chip_gen: v7x
topology: tpu7x:2x2x1
jax: 0.10.2.dev20260603
libtpu: 0.0.44.dev20260713+nightly
codegen_flags: <defaults>
</compile_context>

<pallas_src>
import functools

import jax
import jax.numpy as jnp
from jax import lax
from jax.experimental import pallas as pl
from jax.experimental.pallas import tpu as pltpu
from jax.experimental.pallas import tpu_sc as plsc

N = 10000
E = 320000
D = 128

NC = 2
NS = 16
NW = NC * NS
CHUNK = 128
NCH = 80
ESC = NW * NCH * CHUNK
NPAD = 10112
RPT = NPAD // NS

_MESH = plsc.VectorSubcoreMesh(core_axis_name="c", subcore_axis_name="s")

_ZOFFS = [0, 128, 256, 384, RPT - CHUNK]


def _sc_agg_body(with_deg, *refs):
    if with_deg:
        (y, srcp, dstp, zrow, zdeg, onesd, out_acc, out_deg, acc_sh, deg_sh,
         sidx, didx, rows, ones_v, gsem) = refs
    else:
        (y, srcp, dstp, zrow, out_acc, acc_sh,
         sidx, didx, rows, gsem) = refs

    c = lax.axis_index("c")
    s = lax.axis_index("s")
    wid = c * NS + s
    r0 = s * RPT
    ebase = wid * NCH * CHUNK

    pltpu.sync_copy(zrow, rows)
    for o in _ZOFFS:
        pltpu.sync_copy(rows, acc_sh.at[pl.ds(r0 + o, CHUNK)])
    if with_deg:
        pltpu.sync_copy(zdeg, ones_v)
        for o in _ZOFFS:
            pltpu.sync_copy(ones_v, deg_sh.at[pl.ds(r0 + o, CHUNK)])
        pltpu.sync_copy(onesd, ones_v)
    plsc.subcore_barrier()

    def chunk_body(i, carry):
        off = ebase + i * CHUNK
        pltpu.sync_copy(srcp.at[pl.ds(off, CHUNK)], sidx)
        pltpu.sync_copy(dstp.at[pl.ds(off, CHUNK)], didx)
        pltpu.async_copy(y.at[sidx], rows, gsem).wait()
        pltpu.sync_copy(rows, acc_sh.at[didx], add=True)
        if with_deg:
            pltpu.sync_copy(ones_v, deg_sh.at[didx], add=True)
        return carry

    lax.fori_loop(0, NCH, chunk_body, 0)
    plsc.subcore_barrier()

    ob = c * NPAD + r0
    for o in _ZOFFS:
        pltpu.sync_copy(acc_sh.at[pl.ds(r0 + o, CHUNK)], rows)
        pltpu.sync_copy(rows, out_acc.at[pl.ds(ob + o, CHUNK)])
    if with_deg:
        for o in _ZOFFS:
            pltpu.sync_copy(deg_sh.at[pl.ds(r0 + o, CHUNK)], ones_v)
            pltpu.sync_copy(ones_v, out_deg.at[pl.ds(ob + o, CHUNK)])


_sc_agg_deg = functools.partial(
    pl.kernel,
    functools.partial(_sc_agg_body, True),
    out_type=[
        jax.ShapeDtypeStruct((NC * NPAD, D), jnp.float32),
        jax.ShapeDtypeStruct((NC * NPAD,), jnp.float32),
    ],
    mesh=_MESH,
    scratch_types=[
        pltpu.VMEM_SHARED((NPAD, D), jnp.float32),
        pltpu.VMEM_SHARED((NPAD,), jnp.float32),
        pltpu.VMEM((CHUNK,), jnp.int32),
        pltpu.VMEM((CHUNK,), jnp.int32),
        pltpu.VMEM((CHUNK, D), jnp.float32),
        pltpu.VMEM((CHUNK,), jnp.float32),
        pltpu.SemaphoreType.DMA,
    ],
)()

_sc_agg = functools.partial(
    pl.kernel,
    functools.partial(_sc_agg_body, False),
    out_type=jax.ShapeDtypeStruct((NC * NPAD, D), jnp.float32),
    mesh=_MESH,
    scratch_types=[
        pltpu.VMEM_SHARED((NPAD, D), jnp.float32),
        pltpu.VMEM((CHUNK,), jnp.int32),
        pltpu.VMEM((CHUNK,), jnp.int32),
        pltpu.VMEM((CHUNK, D), jnp.float32),
        pltpu.SemaphoreType.DMA,
    ],
)()



BM = 2000


def _tc_in_body(x_ref, ws_ref, wn_ref, b_ref, z_ref, y_ref):
    x = x_ref[...]
    z_ref[...] = (
        jnp.dot(x, ws_ref[...], preferred_element_type=jnp.float32) + b_ref[...]
    )
    y_ref[...] = jnp.dot(x, wn_ref[...], preferred_element_type=jnp.float32)


def _tc_mid_body(z1_ref, acc_ref, dg0_ref, dg1_ref, ws_ref, wn_ref, b_ref,
                 z2_ref, y2_ref):
    agg = acc_ref[0] + acc_ref[1]
    deg = jnp.maximum(dg0_ref[...] + dg1_ref[...], 1.0)
    h = jnp.maximum(z1_ref[...] + agg / deg, 0.0)
    z2_ref[...] = (
        jnp.dot(h, ws_ref[...], preferred_element_type=jnp.float32) + b_ref[...]
    )
    y2_ref[...] = jnp.dot(h, wn_ref[...], preferred_element_type=jnp.float32)


def _tc_out_body(z2_ref, acc_ref, dg0_ref, dg1_ref, out_ref):
    agg = acc_ref[0] + acc_ref[1]
    deg = jnp.maximum(dg0_ref[...] + dg1_ref[...], 1.0)
    out_ref[...] = z2_ref[...] + agg / deg


_row_spec = pl.BlockSpec((BM, D), lambda i: (i, 0))
_acc_spec = pl.BlockSpec((NC, BM, D), lambda i: (0, i, 0))
_deg_spec = pl.BlockSpec((BM, 1), lambda i: (i, 0))
_w_spec = pl.BlockSpec((D, D), lambda i: (0, 0))
_b_spec = pl.BlockSpec((1, D), lambda i: (0, 0))

_tc_in = pl.pallas_call(
    _tc_in_body,
    grid=(N // BM,),
    in_specs=[_row_spec, _w_spec, _w_spec, _b_spec],
    out_specs=[_row_spec, _row_spec],
    out_shape=[
        jax.ShapeDtypeStruct((N, D), jnp.float32),
        jax.ShapeDtypeStruct((N, D), jnp.float32),
    ],
)

_tc_mid = pl.pallas_call(
    _tc_mid_body,
    grid=(N // BM,),
    in_specs=[_row_spec, _acc_spec, _deg_spec, _deg_spec, _w_spec, _w_spec,
              _b_spec],
    out_specs=[_row_spec, _row_spec],
    out_shape=[
        jax.ShapeDtypeStruct((N, D), jnp.float32),
        jax.ShapeDtypeStruct((N, D), jnp.float32),
    ],
)

_tc_out = pl.pallas_call(
    _tc_out_body,
    grid=(N // BM,),
    in_specs=[_row_spec, _acc_spec, _deg_spec, _deg_spec],
    out_specs=_row_spec,
    out_shape=jax.ShapeDtypeStruct((N, D), jnp.float32),
)


@jax.jit
def kernel(x, edge_index, W1_self, W1_neigh, b1, W2_self, W2_neigh, b2):
    src = edge_index[0]
    dst = edge_index[1]
    srcp = jnp.pad(src, (0, ESC - E))
    dummy = N + jnp.arange(ESC - E, dtype=jnp.int32) % (NPAD - N)
    dstp = jnp.concatenate([dst, dummy])
    zrow = jnp.zeros((CHUNK, D), jnp.float32)
    zdeg = jnp.zeros((CHUNK,), jnp.float32)
    onesd = jnp.ones((CHUNK,), jnp.float32)

    z1, y1 = _tc_in(x, W1_self, W1_neigh, b1.reshape(1, D))
    acc1, deg = _sc_agg_deg(y1, srcp, dstp, zrow, zdeg, onesd)
    acc1 = acc1.reshape(NC, NPAD, D)[:, :N]
    degn = deg.reshape(NC, NPAD)[:, :N]
    dg0 = degn[0][:, None]
    dg1 = degn[1][:, None]
    z2, y2 = _tc_mid(z1, acc1, dg0, dg1, W2_self, W2_neigh, b2.reshape(1, D))
    acc2 = _sc_agg(y2, srcp, dstp, zrow)
    return _tc_out(z2, acc2.reshape(NC, NPAD, D)[:, :N], dg0, dg1)

# --- scband reference (transcript-rebuilt; emitter-appended) ---
"""Pipeline reference for scband-encoder-9732395892772 (READ-ONLY COPY).

The authoritative reference and input builder live on the scoring server;
editing this copy changes nothing except your own understanding.
"""

import jax, jax.numpy as jnp
import numpy as np

N = 10000
E = 320000
D = 128


def setup_inputs(seed: int = 0) -> dict:
    key = jax.random.key(seed)
    ks = jax.random.split(key, 10)
    x = jax.random.normal(ks[0], (N, D), dtype=jnp.float32)
    edge_index = jax.random.randint(ks[1], (2, E), 0, N, dtype=jnp.int32)
    scale = 1.0 / np.sqrt(D)
    W1_self = jax.random.normal(ks[2], (D, D), dtype=jnp.float32) * scale
    W1_neigh = jax.random.normal(ks[3], (D, D), dtype=jnp.float32) * scale
    b1 = jnp.zeros((D,), dtype=jnp.float32)
    W2_self = jax.random.normal(ks[4], (D, D), dtype=jnp.float32) * scale
    W2_neigh = jax.random.normal(ks[5], (D, D), dtype=jnp.float32) * scale
    b2 = jnp.zeros((D,), dtype=jnp.float32)
    return {
        "x": x,
        "edge_index": edge_index,
        "W1_self": W1_self,
        "W1_neigh": W1_neigh,
        "b1": b1,
        "W2_self": W2_self,
        "W2_neigh": W2_neigh,
        "b2": b2,
    }


def _graph_conv(x, edge_index, W_self, W_neigh, b):
    # mean-aggregation message passing: gather from src, scatter-add to dst
    src = edge_index[0]
    dst = edge_index[1]
    msgs = jnp.take(x, src, axis=0)  # gather [E, D]
    agg = jax.ops.segment_sum(msgs, dst, num_segments=N)  # scatter-add [N, D]
    deg = jax.ops.segment_sum(jnp.ones((msgs.shape[0],), dtype=x.dtype), dst, num_segments=N)
    agg = agg / jnp.clip(deg, 1.0, None)[:, None]
    return x @ W_self + agg @ W_neigh + b


def reference(x, edge_index, W1_self, W1_neigh, b1, W2_self, W2_neigh, b2):
    # layer 1 + relu (relu applied between layers, not after the last one)
    h = _graph_conv(x, edge_index, W1_self, W1_neigh, b1)
    h = jax.nn.relu(h)
    # layer 2 (last layer, no relu)
    h = _graph_conv(h, edge_index, W2_self, W2_neigh, b2)
    return h

if __name__ == "__main__":
    import jax
    _d = setup_inputs()
    print(jax.jit(kernel)(*tuple(_d.values())))

</pallas_src>

<mosaic_0001>
#map = affine_map<(d0, d1) -> (0, 0)>
#map1 = affine_map<(d0, d1) -> (0)>
module attributes {stable_mosaic.version = 14 : i64} {
  func.func @_sc_agg_body(%arg0: i32, %arg1: i32, %arg2: memref<10000x128xf32, #tpu.memory_space<hbm>>, %arg3: memref<327680xi32, #tpu.memory_space<hbm>>, %arg4: memref<327680xi32, #tpu.memory_space<hbm>>, %arg5: memref<128x128xf32, #tpu.memory_space<hbm>>, %arg6: memref<128xf32, #tpu.memory_space<hbm>>, %arg7: memref<128xf32, #tpu.memory_space<hbm>>, %arg8: memref<20224x128xf32, #tpu.memory_space<hbm>>, %arg9: memref<20224xf32, #tpu.memory_space<hbm>>, %arg10: memref<10112x128xf32, #tpu.memory_space<vmem_shared>>, %arg11: memref<10112xf32, #tpu.memory_space<vmem_shared>>, %arg12: memref<128xi32, #tpu.memory_space<vmem>>, %arg13: memref<128xi32, #tpu.memory_space<vmem>>, %arg14: memref<128x128xf32, #tpu.memory_space<vmem>>, %arg15: memref<128xf32, #tpu.memory_space<vmem>>, %arg16: memref<!tpu.dma_semaphore, #tpu.memory_space<semaphore_mem>>) attributes {dimension_semantics = [#tpu.dimension_semantics<core_parallel>, #tpu.dimension_semantics<subcore_parallel>], iteration_bounds = array<i64: 2, 16>, scalar_prefetch = 0 : i64, scratch_operands = 7 : i64, tpu.core_type = #tpu.core_type<sc_vector_subcore>, window_params = [{transform_indices = #map}, {transform_indices = #map1}, {transform_indices = #map1}, {transform_indices = #map}, {transform_indices = #map1}, {transform_indices = #map1}, {transform_indices = #map}, {transform_indices = #map1}]} {
    %mul3A = arith.constant 16 : i32
    %mul3A_0 = arith.muli %arg0, %mul3A : i32
    %add3A = arith.addi %mul3A_0, %arg1 : i32
    %mul3A_1 = arith.constant 632 : i32
    %mul3A_2 = arith.muli %arg1, %mul3A_1 : i32
    %mul3A_3 = arith.constant 80 : i32
    %mul3A_4 = arith.muli %add3A, %mul3A_3 : i32
    %mul3A_5 = arith.constant 128 : i32
    %mul3A_6 = arith.muli %mul3A_4, %mul3A_5 : i32
    "tpu.region"() ({
      %run_scoped3A = tpu.sem_alloc : memref<!tpu.dma_semaphore, #tpu.memory_space<semaphore_mem>>
      tpu.enqueue_dma source(%arg5 : memref<128x128xf32, #tpu.memory_space<hbm>>) target(%arg14 : memref<128x128xf32, #tpu.memory_space<vmem>>) target_semaphore(%run_scoped3A : memref<!tpu.dma_semaphore, #tpu.memory_space<semaphore_mem>>)
      tpu.wait_dma2 semaphore(%run_scoped3A : memref<!tpu.dma_semaphore, #tpu.memory_space<semaphore_mem>>) src(%arg5 : memref<128x128xf32, #tpu.memory_space<hbm>>) dst(%arg14 : memref<128x128xf32, #tpu.memory_space<vmem>>)
      tpu.yield
    }) : () -> ()
    %add3A_7 = arith.constant 0 : i32
    %add3A_8 = arith.addi %mul3A_2, %add3A_7 : i32
    "tpu.region"() ({
      %run_scoped3A = tpu.sem_alloc : memref<!tpu.dma_semaphore, #tpu.memory_space<semaphore_mem>>
      %dma_start3A = arith.constant 0 : i32
      %dma_start3A_76 = tpu.memref_slice %arg10[%add3A_8, %dma_start3A] : memref<10112x128xf32, #tpu.memory_space<vmem_shared>> -> memref<128x128xf32, #tpu.memory_space<vmem_shared>>
      %dma_start3A_77 = arith.constant 0 : i32
      %dma_start3A_78 = tpu.memref_slice %arg10[%add3A_8, %dma_start3A_77] : memref<10112x128xf32, #tpu.memory_space<vmem_shared>> -> memref<128x128xf32, #tpu.memory_space<vmem_shared>>
      tpu.enqueue_dma source(%arg14 : memref<128x128xf32, #tpu.memory_space<vmem>>) target(%dma_start3A_78 : memref<128x128xf32, #tpu.memory_space<vmem_shared>>) target_semaphore(%run_scoped3A : memref<!tpu.dma_semaphore, #tpu.memory_space<semaphore_mem>>)
      %dma_wait3A = arith.constant 0 : i32
      %dma_wait3A_79 = tpu.memref_slice %arg10[%add3A_8, %dma_wait3A] : memref<10112x128xf32, #tpu.memory_space<vmem_shared>> -> memref<128x128xf32, #tpu.memory_space<vmem_shared>>
      %dma_wait3A_80 = arith.constant 0 : i32
      %dma_wait3A_81 = tpu.memref_slice %arg10[%add3A_8, %dma_wait3A_80] : memref<10112x128xf32, #tpu.memory_space<vmem_shared>> -> memref<128x128xf32, #tpu.memory_space<vmem_shared>>
      tpu.wait_dma2 semaphore(%run_scoped3A : memref<!tpu.dma_semaphore, #tpu.memory_space<semaphore_mem>>) src(%arg14 : memref<128x128xf32, #tpu.memory_space<vmem>>) dst(%dma_wait3A_81 : memref<128x128xf32, #tpu.memory_space<vmem_shared>>)
      tpu.yield
    }) : () -> ()
    %add3A_9 = arith.constant 128 : i32
    %add3A_10 = arith.addi %mul3A_2, %add3A_9 : i32
    "tpu.region"() ({
      %run_scoped3A = tpu.sem_alloc : memref<!tpu.dma_semaphore, #tpu.memory_space<semaphore_mem>>
      %dma_start3A = arith.constant 0 : i32
      %dma_start3A_76 = tpu.memref_slice %arg10[%add3A_10, %dma_start3A] : memref<10112x128xf32, #tpu.memory_space<vmem_shared>> -> memref<128x128xf32, #tpu.memory_space<vmem_shared>>
      %dma_start3A_77 = arith.constant 0 : i32
      %dma_start3A_78 = tpu.memref_slice %arg10[%add3A_10, %dma_start3A_77] : memref<10112x128xf32, #tpu.memory_space<vmem_shared>> -> memref<128x128xf32, #tpu.memory_space<vmem_shared>>
      tpu.enqueue_dma source(%arg14 : memref<128x128xf32, #tpu.memory_space<vmem>>) target(%dma_start3A_78 : memref<128x128xf32, #tpu.memory_space<vmem_shared>>) target_semaphore(%run_scoped3A : memref<!tpu.dma_semaphore, #tpu.memory_space<semaphore_mem>>)
      %dma_wait3A = arith.constant 0 : i32
      %dma_wait3A_79 = tpu.memref_slice %arg10[%add3A_10, %dma_wait3A] : memref<10112x128xf32, #tpu.memory_space<vmem_shared>> -> memref<128x128xf32, #tpu.memory_space<vmem_shared>>
      %dma_wait3A_80 = arith.constant 0 : i32
      %dma_wait3A_81 = tpu.memref_slice %arg10[%add3A_10, %dma_wait3A_80] : memref<10112x128xf32, #tpu.memory_space<vmem_shared>> -> memref<128x128xf32, #tpu.memory_space<vmem_shared>>
      tpu.wait_dma2 semaphore(%run_scoped3A : memref<!tpu.dma_semaphore, #tpu.memory_space<semaphore_mem>>) src(%arg14 : memref<128x128xf32, #tpu.memory_space<vmem>>) dst(%dma_wait3A_81 : memref<128x128xf32, #tpu.memory_space<vmem_shared>>)
      tpu.yield
    }) : () -> ()
    %add3A_11 = arith.constant 256 : i32
    %add3A_12 = arith.addi %mul3A_2, %add3A_11 : i32
    "tpu.region"() ({
      %run_scoped3A = tpu.sem_alloc : memref<!tpu.dma_semaphore, #tpu.memory_space<semaphore_mem>>
      %dma_start3A = arith.constant 0 : i32
      %dma_start3A_76 = tpu.memref_slice %arg10[%add3A_12, %dma_start3A] : memref<10112x128xf32, #tpu.memory_space<vmem_shared>> -> memref<128x128xf32, #tpu.memory_space<vmem_shared>>
      %dma_start3A_77 = arith.constant 0 : i32
      %dma_start3A_78 = tpu.memref_slice %arg10[%add3A_12, %dma_start3A_77] : memref<10112x128xf32, #tpu.memory_space<vmem_shared>> -> memref<128x128xf32, #tpu.memory_space<vmem_shared>>
      tpu.enqueue_dma source(%arg14 : memref<128x128xf32, #tpu.memory_space<vmem>>) target(%dma_start3A_78 : memref<128x128xf32, #tpu.memory_space<vmem_shared>>) target_semaphore(%run_scoped3A : memref<!tpu.dma_semaphore, #tpu.memory_space<semaphore_mem>>)
      %dma_wait3A = arith.constant 0 : i32
      %dma_wait3A_79 = tpu.memref_slice %arg10[%add3A_12, %dma_wait3A] : memref<10112x128xf32, #tpu.memory_space<vmem_shared>> -> memref<128x128xf32, #tpu.memory_space<vmem_shared>>
      %dma_wait3A_80 = arith.constant 0 : i32
      %dma_wait3A_81 = tpu.memref_slice %arg10[%add3A_12, %dma_wait3A_80] : memref<10112x128xf32, #tpu.memory_space<vmem_shared>> -> memref<128x128xf32, #tpu.memory_space<vmem_shared>>
      tpu.wait_dma2 semaphore(%run_scoped3A : memref<!tpu.dma_semaphore, #tpu.memory_space<semaphore_mem>>) src(%arg14 : memref<128x128xf32, #tpu.memory_space<vmem>>) dst(%dma_wait3A_81 : memref<128x128xf32, #tpu.memory_space<vmem_shared>>)
      tpu.yield
    }) : () -> ()
    %add3A_13 = arith.constant 384 : i32
    %add3A_14 = arith.addi %mul3A_2, %add3A_13 : i32
    "tpu.region"() ({
      %run_scoped3A = tpu.sem_alloc : memref<!tpu.dma_semaphore, #tpu.memory_space<semaphore_mem>>
      %dma_start3A = arith.constant 0 : i32
      %dma_start3A_76 = tpu.memref_slice %arg10[%add3A_14, %dma_start3A] : memref<10112x128xf32, #tpu.memory_space<vmem_shared>> -> memref<128x128xf32, #tpu.memory_space<vmem_shared>>
      %dma_start3A_77 = arith.constant 0 : i32
      %dma_start3A_78 = tpu.memref_slice %arg10[%add3A_14, %dma_start3A_77] : memref<10112x128xf32, #tpu.memory_space<vmem_shared>> -> memref<128x128xf32, #tpu.memory_space<vmem_shared>>
      tpu.enqueue_dma source(%arg14 : memref<128x128xf32, #tpu.memory_space<vmem>>) target(%dma_start3A_78 : memref<128x128xf32, #tpu.memory_space<vmem_shared>>) target_semaphore(%run_scoped3A : memref<!tpu.dma_semaphore, #tpu.memory_space<semaphore_mem>>)
      %dma_wait3A = arith.constant 0 : i32
      %dma_wait3A_79 = tpu.memref_slice %arg10[%add3A_14, %dma_wait3A] : memref<10112x128xf32, #tpu.memory_space<vmem_shared>> -> memref<128x128xf32, #tpu.memory_space<vmem_shared>>
      %dma_wait3A_80 = arith.constant 0 : i32
      %dma_wait3A_81 = tpu.memref_slice %arg10[%add3A_14, %dma_wait3A_80] : memref<10112x128xf32, #tpu.memory_space<vmem_shared>> -> memref<128x128xf32, #tpu.memory_space<vmem_shared>>
      tpu.wait_dma2 semaphore(%run_scoped3A : memref<!tpu.dma_semaphore, #tpu.memory_space<semaphore_mem>>) src(%arg14 : memref<128x128xf32, #tpu.memory_space<vmem>>) dst(%dma_wait3A_81 : memref<128x128xf32, #tpu.memory_space<vmem_shared>>)
      tpu.yield
    }) : () -> ()
    %add3A_15 = arith.constant 504 : i32
    %add3A_16 = arith.addi %mul3A_2, %add3A_15 : i32
    "tpu.region"() ({
      %run_scoped3A = tpu.sem_alloc : memref<!tpu.dma_semaphore, #tpu.memory_space<semaphore_mem>>
      %dma_start3A = arith.constant 0 : i32
      %dma_start3A_76 = tpu.memref_slice %arg10[%add3A_16, %dma_start3A] : memref<10112x128xf32, #tpu.memory_space<vmem_shared>> -> memref<128x128xf32, #tpu.memory_space<vmem_shared>>
      %dma_start3A_77 = arith.constant 0 : i32
      %dma_start3A_78 = tpu.memref_slice %arg10[%add3A_16, %dma_start3A_77] : memref<10112x128xf32, #tpu.memory_space<vmem_shared>> -> memref<128x128xf32, #tpu.memory_space<vmem_shared>>
      tpu.enqueue_dma source(%arg14 : memref<128x128xf32, #tpu.memory_space<vmem>>) target(%dma_start3A_78 : memref<128x128xf32, #tpu.memory_space<vmem_shared>>) target_semaphore(%run_scoped3A : memref<!tpu.dma_semaphore, #tpu.memory_space<semaphore_mem>>)
      %dma_wait3A = arith.constant 0 : i32
      %dma_wait3A_79 = tpu.memref_slice %arg10[%add3A_16, %dma_wait3A] : memref<10112x128xf32, #tpu.memory_space<vmem_shared>> -> memref<128x128xf32, #tpu.memory_space<vmem_shared>>
      %dma_wait3A_80 = arith.constant 0 : i32
      %dma_wait3A_81 = tpu.memref_slice %arg10[%add3A_16, %dma_wait3A_80] : memref<10112x128xf32, #tpu.memory_space<vmem_shared>> -> memref<128x128xf32, #tpu.memory_space<vmem_shared>>
      tpu.wait_dma2 semaphore(%run_scoped3A : memref<!tpu.dma_semaphore, #tpu.memory_space<semaphore_mem>>) src(%arg14 : memref<128x128xf32, #tpu.memory_space<vmem>>) dst(%dma_wait3A_81 : memref<128x128xf32, #tpu.memory_space<vmem_shared>>)
      tpu.yield
    }) : () -> ()
    "tpu.region"() ({
      %run_scoped3A = tpu.sem_alloc : memref<!tpu.dma_semaphore, #tpu.memory_space<semaphore_mem>>
      tpu.enqueue_dma source(%arg6 : memref<128xf32, #tpu.memory_space<hbm>>) target(%arg15 : memref<128xf32, #tpu.memory_space<vmem>>) target_semaphore(%run_scoped3A : memref<!tpu.dma_semaphore, #tpu.memory_space<semaphore_mem>>)
      tpu.wait_dma2 semaphore(%run_scoped3A : memref<!tpu.dma_semaphore, #tpu.memory_space<semaphore_mem>>) src(%arg6 : memref<128xf32, #tpu.memory_space<hbm>>) dst(%arg15 : memref<128xf32, #tpu.memory_space<vmem>>)
      tpu.yield
    }) : () -> ()
    %add3A_17 = arith.constant 0 : i32
    %add3A_18 = arith.addi %mul3A_2, %add3A_17 : i32
    "tpu.region"() ({
      %run_scoped3A = tpu.sem_alloc : memref<!tpu.dma_semaphore, #tpu.memory_space<semaphore_mem>>
      %dma_start3A = tpu.memref_slice %arg11[%add3A_18] : memref<10112xf32, #tpu.memory_space<vmem_shared>> -> memref<128xf32, #tpu.memory_space<vmem_shared>>
      %dma_start3A_76 = tpu.memref_slice %arg11[%add3A_18] : memref<10112xf32, #tpu.memory_space<vmem_shared>> -> memref<128xf32, #tpu.memory_space<vmem_shared>>
      tpu.enqueue_dma source(%arg15 : memref<128xf32, #tpu.memory_space<vmem>>) target(%dma_start3A_76 : memref<128xf32, #tpu.memory_space<vmem_shared>>) target_semaphore(%run_scoped3A : memref<!tpu.dma_semaphore, #tpu.memory_space<semaphore_mem>>)
      %dma_wait3A = tpu.memref_slice %arg11[%add3A_18] : memref<10112xf32, #tpu.memory_space<vmem_shared>> -> memref<128xf32, #tpu.memory_space<vmem_shared>>
      %dma_wait3A_77 = tpu.memref_slice %arg11[%add3A_18] : memref<10112xf32, #tpu.memory_space<vmem_shared>> -> memref<128xf32, #tpu.memory_space<vmem_shared>>
      tpu.wait_dma2 semaphore(%run_scoped3A : memref<!tpu.dma_semaphore, #tpu.memory_space<semaphore_mem>>) src(%arg15 : memref<128xf32, #tpu.memory_space<vmem>>) dst(%dma_wait3A_77 : memref<128xf32, #tpu.memory_space<vmem_shared>>)
      tpu.yield
    }) : () -> ()
    %add3A_19 = arith.constant 128 : i32
    %add3A_20 = arith.addi %mul3A_2, %add3A_19 : i32
    "tpu.region"() ({
      %run_scoped3A = tpu.sem_alloc : memref<!tpu.dma_semaphore, #tpu.memory_space<semaphore_mem>>
      %dma_start3A = tpu.memref_slice %arg11[%add3A_20] : memref<10112xf32, #tpu.memory_space<vmem_shared>> -> memref<128xf32, #tpu.memory_space<vmem_shared>>
      %dma_start3A_76 = tpu.memref_slice %arg11[%add3A_20] : memref<10112xf32, #tpu.memory_space<vmem_shared>> -> memref<128xf32, #tpu.memory_space<vmem_shared>>
      tpu.enqueue_dma source(%arg15 : memref<128xf32, #tpu.memory_space<vmem>>) target(%dma_start3A_76 : memref<128xf32, #tpu.memory_space<vmem_shared>>) target_semaphore(%run_scoped3A : memref<!tpu.dma_semaphore, #tpu.memory_space<semaphore_mem>>)
      %dma_wait3A = tpu.memref_slice %arg11[%add3A_20] : memref<10112xf32, #tpu.memory_space<vmem_shared>> -> memref<128xf32, #tpu.memory_space<vmem_shared>>
      %dma_wait3A_77 = tpu.memref_slice %arg11[%add3A_20] : memref<10112xf32, #tpu.memory_space<vmem_shared>> -> memref<128xf32, #tpu.memory_space<vmem_shared>>
      tpu.wait_dma2 semaphore(%run_scoped3A : memref<!tpu.dma_semaphore, #tpu.memory_space<semaphore_mem>>) src(%arg15 : memref<128xf32, #tpu.memory_space<vmem>>) dst(%dma_wait3A_77 : memref<128xf32, #tpu.memory_space<vmem_shared>>)
      tpu.yield
    }) : () -> ()
    %add3A_21 = arith.constant 256 : i32
    %add3A_22 = arith.addi %mul3A_2, %add3A_21 : i32
    "tpu.region"() ({
      %run_scoped3A = tpu.sem_alloc : memref<!tpu.dma_semaphore, #tpu.memory_space<semaphore_mem>>
      %dma_start3A = tpu.memref_slice %arg11[%add3A_22] : memref<10112xf32, #tpu.memory_space<vmem_shared>> -> memref<128xf32, #tpu.memory_space<vmem_shared>>
      %dma_start3A_76 = tpu.memref_slice %arg11[%add3A_22] : memref<10112xf32, #tpu.memory_space<vmem_shared>> -> memref<128xf32, #tpu.memory_space<vmem_shared>>
      tpu.enqueue_dma source(%arg15 : memref<128xf32, #tpu.memory_space<vmem>>) target(%dma_start3A_76 : memref<128xf32, #tpu.memory_space<vmem_shared>>) target_semaphore(%run_scoped3A : memref<!tpu.dma_semaphore, #tpu.memory_space<semaphore_mem>>)
      %dma_wait3A = tpu.memref_slice %arg11[%add3A_22] : memref<10112xf32, #tpu.memory_space<vmem_shared>> -> memref<128xf32, #tpu.memory_space<vmem_shared>>
      %dma_wait3A_77 = tpu.memref_slice %arg11[%add3A_22] : memref<10112xf32, #tpu.memory_space<vmem_shared>> -> memref<128xf32, #tpu.memory_space<vmem_shared>>
      tpu.wait_dma2 semaphore(%run_scoped3A : memref<!tpu.dma_semaphore, #tpu.memory_space<semaphore_mem>>) src(%arg15 : memref<128xf32, #tpu.memory_space<vmem>>) dst(%dma_wait3A_77 : memref<128xf32, #tpu.memory_space<vmem_shared>>)
      tpu.yield
    }) : () -> ()
    %add3A_23 = arith.constant 384 : i32
    %add3A_24 = arith.addi %mul3A_2, %add3A_23 : i32
    "tpu.region"() ({
      %run_scoped3A = tpu.sem_alloc : memref<!tpu.dma_semaphore, #tpu.memory_space<semaphore_mem>>
      %dma_start3A = tpu.memref_slice %arg11[%add3A_24] : memref<10112xf32, #tpu.memory_space<vmem_shared>> -> memref<128xf32, #tpu.memory_space<vmem_shared>>
      %dma_start3A_76 = tpu.memref_slice %arg11[%add3A_24] : memref<10112xf32, #tpu.memory_space<vmem_shared>> -> memref<128xf32, #tpu.memory_space<vmem_shared>>
      tpu.enqueue_dma source(%arg15 : memref<128xf32, #tpu.memory_space<vmem>>) target(%dma_start3A_76 : memref<128xf32, #tpu.memory_space<vmem_shared>>) target_semaphore(%run_scoped3A : memref<!tpu.dma_semaphore, #tpu.memory_space<semaphore_mem>>)
      %dma_wait3A = tpu.memref_slice %arg11[%add3A_24] : memref<10112xf32, #tpu.memory_space<vmem_shared>> -> memref<128xf32, #tpu.memory_space<vmem_shared>>
      %dma_wait3A_77 = tpu.memref_slice %arg11[%add3A_24] : memref<10112xf32, #tpu.memory_space<vmem_shared>> -> memref<128xf32, #tpu.memory_space<vmem_shared>>
      tpu.wait_dma2 semaphore(%run_scoped3A : memref<!tpu.dma_semaphore, #tpu.memory_space<semaphore_mem>>) src(%arg15 : memref<128xf32, #tpu.memory_space<vmem>>) dst(%dma_wait3A_77 : memref<128xf32, #tpu.memory_space<vmem_shared>>)
      tpu.yield
    }) : () -> ()
    %add3A_25 = arith.constant 504 : i32
    %add3A_26 = arith.addi %mul3A_2, %add3A_25 : i32
    "tpu.region"() ({
      %run_scoped3A = tpu.sem_alloc : memref<!tpu.dma_semaphore, #tpu.memory_space<semaphore_mem>>
      %dma_start3A = tpu.memref_slice %arg11[%add3A_26] : memref<10112xf32, #tpu.memory_space<vmem_shared>> -> memref<128xf32, #tpu.memory_space<vmem_shared>>
      %dma_start3A_76 = tpu.memref_slice %arg11[%add3A_26] : memref<10112xf32, #tpu.memory_space<vmem_shared>> -> memref<128xf32, #tpu.memory_space<vmem_shared>>
      tpu.enqueue_dma source(%arg15 : memref<128xf32, #tpu.memory_space<vmem>>) target(%dma_start3A_76 : memref<128xf32, #tpu.memory_space<vmem_shared>>) target_semaphore(%run_scoped3A : memref<!tpu.dma_semaphore, #tpu.memory_space<semaphore_mem>>)
      %dma_wait3A = tpu.memref_slice %arg11[%add3A_26] : memref<10112xf32, #tpu.memory_space<vmem_shared>> -> memref<128xf32, #tpu.memory_space<vmem_shared>>
      %dma_wait3A_77 = tpu.memref_slice %arg11[%add3A_26] : memref<10112xf32, #tpu.memory_space<vmem_shared>> -> memref<128xf32, #tpu.memory_space<vmem_shared>>
      tpu.wait_dma2 semaphore(%run_scoped3A : memref<!tpu.dma_semaphore, #tpu.memory_space<semaphore_mem>>) src(%arg15 : memref<128xf32, #tpu.memory_space<vmem>>) dst(%dma_wait3A_77 : memref<128xf32, #tpu.memory_space<vmem_shared>>)
      tpu.yield
    }) : () -> ()
    "tpu.region"() ({
      %run_scoped3A = tpu.sem_alloc : memref<!tpu.dma_semaphore, #tpu.memory_space<semaphore_mem>>
      tpu.enqueue_dma source(%arg7 : memref<128xf32, #tpu.memory_space<hbm>>) target(%arg15 : memref<128xf32, #tpu.memory_space<vmem>>) target_semaphore(%run_scoped3A : memref<!tpu.dma_semaphore, #tpu.memory_space<semaphore_mem>>)
      tpu.wait_dma2 semaphore(%run_scoped3A : memref<!tpu.dma_semaphore, #tpu.memory_space<semaphore_mem>>) src(%arg7 : memref<128xf32, #tpu.memory_space<hbm>>) dst(%arg15 : memref<128xf32, #tpu.memory_space<vmem>>)
      tpu.yield
    }) : () -> ()
    %barrier3A = arith.constant 0 : index
    tpu.barrier barrier_id(%barrier3A)
    %scan3A = arith.constant 0 : i32
    %scan3A_27 = arith.constant 0 : i32
    %scan3A_28 = arith.constant 80 : i32
    %scan3A_29 = arith.addi %scan3A_27, %scan3A_28 : i32
    %scan3A_30 = arith.constant 1 : i32
    scf.for %scan3A_76 = %scan3A_27 to %scan3A_29 step %scan3A_30  : i32 {
      %mul3A_77 = arith.constant 128 : i32
      %mul3A_78 = arith.muli %scan3A_76, %mul3A_77 : i32
      %add3A_79 = arith.addi %mul3A_6, %mul3A_78 : i32
      "tpu.region"() ({
        %run_scoped3A = tpu.sem_alloc : memref<!tpu.dma_semaphore, #tpu.memory_space<semaphore_mem>>
        %dma_start3A_84 = tpu.memref_slice %arg3[%add3A_79] : memref<327680xi32, #tpu.memory_space<hbm>> -> memref<128xi32, #tpu.memory_space<hbm>>
        %dma_start3A_85 = tpu.memref_slice %arg3[%add3A_79] : memref<327680xi32, #tpu.memory_space<hbm>> -> memref<128xi32, #tpu.memory_space<hbm>>
        tpu.enqueue_dma source(%dma_start3A_85 : memref<128xi32, #tpu.memory_space<hbm>>) target(%arg12 : memref<128xi32, #tpu.memory_space<vmem>>) target_semaphore(%run_scoped3A : memref<!tpu.dma_semaphore, #tpu.memory_space<semaphore_mem>>)
        %dma_wait3A_86 = tpu.memref_slice %arg3[%add3A_79] : memref<327680xi32, #tpu.memory_space<hbm>> -> memref<128xi32, #tpu.memory_space<hbm>>
        %dma_wait3A_87 = tpu.memref_slice %arg3[%add3A_79] : memref<327680xi32, #tpu.memory_space<hbm>> -> memref<128xi32, #tpu.memory_space<hbm>>
        tpu.wait_dma2 semaphore(%run_scoped3A : memref<!tpu.dma_semaphore, #tpu.memory_space<semaphore_mem>>) src(%dma_wait3A_87 : memref<128xi32, #tpu.memory_space<hbm>>) dst(%arg12 : memref<128xi32, #tpu.memory_space<vmem>>)
        tpu.yield
      }) : () -> ()
      "tpu.region"() ({
        %run_scoped3A = tpu.sem_alloc : memref<!tpu.dma_semaphore, #tpu.memory_space<semaphore_mem>>
        %dma_start3A_84 = tpu.memref_slice %arg4[%add3A_79] : memref<327680xi32, #tpu.memory_space<hbm>> -> memref<128xi32, #tpu.memory_space<hbm>>
        %dma_start3A_85 = tpu.memref_slice %arg4[%add3A_79] : memref<327680xi32, #tpu.memory_space<hbm>> -> memref<128xi32, #tpu.memory_space<hbm>>
        tpu.enqueue_dma source(%dma_start3A_85 : memref<128xi32, #tpu.memory_space<hbm>>) target(%arg13 : memref<128xi32, #tpu.memory_space<vmem>>) target_semaphore(%run_scoped3A : memref<!tpu.dma_semaphore, #tpu.memory_space<semaphore_mem>>)
        %dma_wait3A_86 = tpu.memref_slice %arg4[%add3A_79] : memref<327680xi32, #tpu.memory_space<hbm>> -> memref<128xi32, #tpu.memory_space<hbm>>
        %dma_wait3A_87 = tpu.memref_slice %arg4[%add3A_79] : memref<327680xi32, #tpu.memory_space<hbm>> -> memref<128xi32, #tpu.memory_space<hbm>>
        tpu.wait_dma2 semaphore(%run_scoped3A : memref<!tpu.dma_semaphore, #tpu.memory_space<semaphore_mem>>) src(%dma_wait3A_87 : memref<128xi32, #tpu.memory_space<hbm>>) dst(%arg13 : memref<128xi32, #tpu.memory_space<vmem>>)
        tpu.yield
      }) : () -> ()
      %dma_start3A = arith.constant 0 : i32
      %dma_start3A_80 = arith.constant 0 : i32
      %dma_start3A_81 = tpu.memref_slice %arg2[%dma_start3A, %dma_start3A_80] : memref<10000x128xf32, #tpu.memory_space<hbm>> -> memref<10000x128xf32, #tpu.memory_space<hbm>>
      tpu.enqueue_indirect_dma source(%dma_start3A_81 : memref<10000x128xf32, #tpu.memory_space<hbm>>) target(%arg14 : memref<128x128xf32, #tpu.memory_space<vmem>>) offsets(%arg12 : memref<128xi32, #tpu.memory_space<vmem>>) semaphore(%arg16 : memref<!tpu.dma_semaphore, #tpu.memory_space<semaphore_mem>>)
      %dma_wait3A = arith.constant 0 : i32
      %dma_wait3A_82 = arith.constant 0 : i32
      %dma_wait3A_83 = tpu.memref_slice %arg2[%dma_wait3A, %dma_wait3A_82] : memref<10000x128xf32, #tpu.memory_space<hbm>> -> memref<10000x128xf32, #tpu.memory_space<hbm>>
      tpu.wait_indirect_dma semaphore(%arg16 : memref<!tpu.dma_semaphore, #tpu.memory_space<semaphore_mem>>) src(%dma_wait3A_83 : memref<10000x128xf32, #tpu.memory_space<hbm>>) dst(%arg14 : memref<128x128xf32, #tpu.memory_space<vmem>>)
      "tpu.region"() ({
        %run_scoped3A = tpu.sem_alloc : memref<!tpu.dma_semaphore, #tpu.memory_space<semaphore_mem>>
        %dma_start3A_84 = arith.constant 0 : i32
        %dma_start3A_85 = arith.constant 0 : i32
        %dma_start3A_86 = tpu.memref_slice %arg10[%dma_start3A_84, %dma_start3A_85] : memref<10112x128xf32, #tpu.memory_space<vmem_shared>> -> memref<10112x128xf32, #tpu.memory_space<vmem_shared>>
        tpu.enqueue_indirect_dma source(%arg14 : memref<128x128xf32, #tpu.memory_space<vmem>>) target(%dma_start3A_86 : memref<10112x128xf32, #tpu.memory_space<vmem_shared>>) offsets(%arg13 : memref<128xi32, #tpu.memory_space<vmem>>) semaphore(%run_scoped3A : memref<!tpu.dma_semaphore, #tpu.memory_space<semaphore_mem>>) {add = true}
        %dma_wait3A_87 = arith.constant 0 : i32
        %dma_wait3A_88 = arith.constant 0 : i32
        %dma_wait3A_89 = tpu.memref_slice %arg10[%dma_wait3A_87, %dma_wait3A_88] : memref<10112x128xf32, #tpu.memory_space<vmem_shared>> -> memref<10112x128xf32, #tpu.memory_space<vmem_shared>>
        tpu.wait_indirect_dma semaphore(%run_scoped3A : memref<!tpu.dma_semaphore, #tpu.memory_space<semaphore_mem>>) src(%arg14 : memref<128x128xf32, #tpu.memory_space<vmem>>) dst(%dma_wait3A_89 : memref<10112x128xf32, #tpu.memory_space<vmem_shared>>)
        tpu.yield
      }) : () -> ()
      "tpu.region"() ({
        %run_scoped3A = tpu.sem_alloc : memref<!tpu.dma_semaphore, #tpu.memory_space<semaphore_mem>>
        %dma_start3A_84 = arith.constant 0 : i32
        %dma_start3A_85 = tpu.memref_slice %arg11[%dma_start3A_84] : memref<10112xf32, #tpu.memory_space<vmem_shared>> -> memref<10112xf32, #tpu.memory_space<vmem_shared>>
        tpu.enqueue_indirect_dma source(%arg15 : memref<128xf32, #tpu.memory_space<vmem>>) target(%dma_start3A_85 : memref<10112xf32, #tpu.memory_space<vmem_shared>>) offsets(%arg13 : memref<128xi32, #tpu.memory_space<vmem>>) semaphore(%run_scoped3A : memref<!tpu.dma_semaphore, #tpu.memory_space<semaphore_mem>>) {add = true}
        %dma_wait3A_86 = arith.constant 0 : i32
        %dma_wait3A_87 = tpu.memref_slice %arg11[%dma_wait3A_86] : memref<10112xf32, #tpu.memory_space<vmem_shared>> -> memref<10112xf32, #tpu.memory_space<vmem_shared>>
        tpu.wait_indirect_dma semaphore(%run_scoped3A : memref<!tpu.dma_semaphore, #tpu.memory_space<semaphore_mem>>) src(%arg15 : memref<128xf32, #tpu.memory_space<vmem>>) dst(%dma_wait3A_87 : memref<10112xf32, #tpu.memory_space<vmem_shared>>)
        tpu.yield
      }) : () -> ()
    }
    %scan3A_31 = arith.constant 80 : i32
    %barrier3A_32 = arith.constant 0 : index
    tpu.barrier barrier_id(%barrier3A_32)
    %mul3A_33 = arith.constant 10112 : i32
    %mul3A_34 = arith.muli %arg0, %mul3A_33 : i32
    %add3A_35 = arith.addi %mul3A_34, %mul3A_2 : i32
    %add3A_36 = arith.constant 0 : i32
    %add3A_37 = arith.addi %mul3A_2, %add3A_36 : i32
    "tpu.region"() ({
      %run_scoped3A = tpu.sem_alloc : memref<!tpu.dma_semaphore, #tpu.memory_space<semaphore_mem>>
      %dma_start3A = arith.constant 0 : i32
      %dma_start3A_76 = tpu.memref_slice %arg10[%add3A_37, %dma_start3A] : memref<10112x128xf32, #tpu.memory_space<vmem_shared>> -> memref<128x128xf32, #tpu.memory_space<vmem_shared>>
      %dma_start3A_77 = arith.constant 0 : i32
      %dma_start3A_78 = tpu.memref_slice %arg10[%add3A_37, %dma_start3A_77] : memref<10112x128xf32, #tpu.memory_space<vmem_shared>> -> memref<128x128xf32, #tpu.memory_space<vmem_shared>>
      tpu.enqueue_dma source(%dma_start3A_78 : memref<128x128xf32, #tpu.memory_space<vmem_shared>>) target(%arg14 : memref<128x128xf32, #tpu.memory_space<vmem>>) target_semaphore(%run_scoped3A : memref<!tpu.dma_semaphore, #tpu.memory_space<semaphore_mem>>)
      %dma_wait3A = arith.constant 0 : i32
      %dma_wait3A_79 = tpu.memref_slice %arg10[%add3A_37, %dma_wait3A] : memref<10112x128xf32, #tpu.memory_space<vmem_shared>> -> memref<128x128xf32, #tpu.memory_space<vmem_shared>>
      %dma_wait3A_80 = arith.constant 0 : i32
      %dma_wait3A_81 = tpu.memref_slice %arg10[%add3A_37, %dma_wait3A_80] : memref<10112x128xf32, #tpu.memory_space<vmem_shared>> -> memref<128x128xf32, #tpu.memory_space<vmem_shared>>
      tpu.wait_dma2 semaphore(%run_scoped3A : memref<!tpu.dma_semaphore, #tpu.memory_space<semaphore_mem>>) src(%dma_wait3A_81 : memref<128x128xf32, #tpu.memory_space<vmem_shared>>) dst(%arg14 : memref<128x128xf32, #tpu.memory_space<vmem>>)
      tpu.yield
    }) : () -> ()
    %add3A_38 = arith.constant 0 : i32
    %add3A_39 = arith.addi %add3A_35, %add3A_38 : i32
    "tpu.region"() ({
      %run_scoped3A = tpu.sem_alloc : memref<!tpu.dma_semaphore, #tpu.memory_space<semaphore_mem>>
      %dma_start3A = arith.constant 0 : i32
      %dma_start3A_76 = tpu.memref_slice %arg8[%add3A_39, %dma_start3A] : memref<20224x128xf32, #tpu.memory_space<hbm>> -> memref<128x128xf32, #tpu.memory_space<hbm>>
      %dma_start3A_77 = arith.constant 0 : i32
      %dma_start3A_78 = tpu.memref_slice %arg8[%add3A_39, %dma_start3A_77] : memref<20224x128xf32, #tpu.memory_space<hbm>> -> memref<128x128xf32, #tpu.memory_space<hbm>>
      tpu.enqueue_dma source(%arg14 : memref<128x128xf32, #tpu.memory_space<vmem>>) target(%dma_start3A_78 : memref<128x128xf32, #tpu.memory_space<hbm>>) target_semaphore(%run_scoped3A : memref<!tpu.dma_semaphore, #tpu.memory_space<semaphore_mem>>)
      %dma_wait3A = arith.constant 0 : i32
      %dma_wait3A_79 = tpu.memref_slice %arg8[%add3A_39, %dma_wait3A] : memref<20224x128xf32, #tpu.memory_space<hbm>> -> memref<128x128xf32, #tpu.memory_space<hbm>>
      %dma_wait3A_80 = arith.constant 0 : i32
      %dma_wait3A_81 = tpu.memref_slice %arg8[%add3A_39, %dma_wait3A_80] : memref<20224x128xf32, #tpu.memory_space<hbm>> -> memref<128x128xf32, #tpu.memory_space<hbm>>
      tpu.wait_dma2 semaphore(%run_scoped3A : memref<!tpu.dma_semaphore, #tpu.memory_space<semaphore_mem>>) src(%arg14 : memref<128x128xf32, #tpu.memory_space<vmem>>) dst(%dma_wait3A_81 : memref<128x128xf32, #tpu.memory_space<hbm>>)
      tpu.yield
    }) : () -> ()
    %add3A_40 = arith.constant 128 : i32
    %add3A_41 = arith.addi %mul3A_2, %add3A_40 : i32
    "tpu.region"() ({
      %run_scoped3A = tpu.sem_alloc : memref<!tpu.dma_semaphore, #tpu.memory_space<semaphore_mem>>
      %dma_start3A = arith.constant 0 : i32
      %dma_start3A_76 = tpu.memref_slice %arg10[%add3A_41, %dma_start3A] : memref<10112x128xf32, #tpu.memory_space<vmem_shared>> -> memref<128x128xf32, #tpu.memory_space<vmem_shared>>
      %dma_start3A_77 = arith.constant 0 : i32
      %dma_start3A_78 = tpu.memref_slice %arg10[%add3A_41, %dma_start3A_77] : memref<10112x128xf32, #tpu.memory_space<vmem_shared>> -> memref<128x128xf32, #tpu.memory_space<vmem_shared>>
      tpu.enqueue_dma source(%dma_start3A_78 : memref<128x128xf32, #tpu.memory_space<vmem_shared>>) target(%arg14 : memref<128x128xf32, #tpu.memory_space<vmem>>) target_semaphore(%run_scoped3A : memref<!tpu.dma_semaphore, #tpu.memory_space<semaphore_mem>>)
      %dma_wait3A = arith.constant 0 : i32
      %dma_wait3A_79 = tpu.memref_slice %arg10[%add3A_41, %dma_wait3A] : memref<10112x128xf32, #tpu.memory_space<vmem_shared>> -> memref<128x128xf32, #tpu.memory_space<vmem_shared>>
      %dma_wait3A_80 = arith.constant 0 : i32
      %dma_wait3A_81 = tpu.memref_slice %arg10[%add3A_41, %dma_wait3A_80] : memref<10112x128xf32, #tpu.memory_space<vmem_shared>> -> memref<128x128xf32, #tpu.memory_space<vmem_shared>>
      tpu.wait_dma2 semaphore(%run_scoped3A : memref<!tpu.dma_semaphore, #tpu.memory_space<semaphore_mem>>) src(%dma_wait3A_81 : memref<128x128xf32, #tpu.memory_space<vmem_shared>>) dst(%arg14 : memref<128x128xf32, #tpu.memory_space<vmem>>)
      tpu.yield
    }) : () -> ()
    %add3A_42 = arith.constant 128 : i32
    %add3A_43 = arith.addi %add3A_35, %add3A_42 : i32
    "tpu.region"() ({
      %run_scoped3A = tpu.sem_alloc : memref<!tpu.dma_semaphore, #tpu.memory_space<semaphore_mem>>
      %dma_start3A = arith.constant 0 : i32
      %dma_start3A_76 = tpu.memref_slice %arg8[%add3A_43, %dma_start3A] : memref<20224x128xf32, #tpu.memory_space<hbm>> -> memref<128x128xf32, #tpu.memory_space<hbm>>
      %dma_start3A_77 = arith.constant 0 : i32
      %dma_start3A_78 = tpu.memref_slice %arg8[%add3A_43, %dma_start3A_77] : memref<20224x128xf32, #tpu.memory_space<hbm>> -> memref<128x128xf32, #tpu.memory_space<hbm>>
      tpu.enqueue_dma source(%arg14 : memref<128x128xf32, #tpu.memory_space<vmem>>) target(%dma_start3A_78 : memref<128x128xf32, #tpu.memory_space<hbm>>) target_semaphore(%run_scoped3A : memref<!tpu.dma_semaphore, #tpu.memory_space<semaphore_mem>>)
      %dma_wait3A = arith.constant 0 : i32
      %dma_wait3A_79 = tpu.memref_slice %arg8[%add3A_43, %dma_wait3A] : memref<20224x128xf32, #tpu.memory_space<hbm>> -> memref<128x128xf32, #tpu.memory_space<hbm>>
      %dma_wait3A_80 = arith.constant 0 : i32
      %dma_wait3A_81 = tpu.memref_slice %arg8[%add3A_43, %dma_wait3A_80] : memref<20224x128xf32, #tpu.memory_space<hbm>> -> memref<128x128xf32, #tpu.memory_space<hbm>>
      tpu.wait_dma2 semaphore(%run_scoped3A : memref<!tpu.dma_semaphore, #tpu.memory_space<semaphore_mem>>) src(%arg14 : memref<128x128xf32, #tpu.memory_space<vmem>>) dst(%dma_wait3A_81 : memref<128x128xf32, #tpu.memory_space<hbm>>)
      tpu.yield
    }) : () -> ()
    %add3A_44 = arith.constant 256 : i32
    %add3A_45 = arith.addi %mul3A_2, %add3A_44 : i32
    "tpu.region"() ({
      %run_scoped3A = tpu.sem_alloc : memref<!tpu.dma_semaphore, #tpu.memory_space<semaphore_mem>>
      %dma_start3A = arith.constant 0 : i32
      %dma_start3A_76 = tpu.memref_slice %arg10[%add3A_45, %dma_start3A] : memref<10112x128xf32, #tpu.memory_space<vmem_shared>> -> memref<128x128xf32, #tpu.memory_space<vmem_shared>>
      %dma_start3A_77 = arith.constant 0 : i32
      %dma_start3A_78 = tpu.memref_slice %arg10[%add3A_45, %dma_start3A_77] : memref<10112x128xf32, #tpu.memory_space<vmem_shared>> -> memref<128x128xf32, #tpu.memory_space<vmem_shared>>
      tpu.enqueue_dma source(%dma_start3A_78 : memref<128x128xf32, #tpu.memory_space<vmem_shared>>) target(%arg14 : memref<128x128xf32, #tpu.memory_space<vmem>>) target_semaphore(%run_scoped3A : memref<!tpu.dma_semaphore, #tpu.memory_space<semaphore_mem>>)
      %dma_wait3A = arith.constant 0 : i32
      %dma_wait3A_79 = tpu.memref_slice %arg10[%add3A_45, %dma_wait3A] : memref<10112x128xf32, #tpu.memory_space<vmem_shared>> -> memref<128x128xf32, #tpu.memory_space<vmem_shared>>
      %dma_wait3A_80 = arith.constant 0 : i32
      %dma_wait3A_81 = tpu.memref_slice %arg10[%add3A_45, %dma_wait3A_80] : memref<10112x128xf32, #tpu.memory_space<vmem_shared>> -> memref<128x128xf32, #tpu.memory_space<vmem_shared>>
      tpu.wait_dma2 semaphore(%run_scoped3A : memref<!tpu.dma_semaphore, #tpu.memory_space<semaphore_mem>>) src(%dma_wait3A_81 : memref<128x128xf32, #tpu.memory_space<vmem_shared>>) dst(%arg14 : memref<128x128xf32, #tpu.memory_space<vmem>>)
      tpu.yield
    }) : () -> ()
    %add3A_46 = arith.constant 256 : i32
    %add3A_47 = arith.addi %add3A_35, %add3A_46 : i32
    "tpu.region"() ({
      %run_scoped3A = tpu.sem_alloc : memref<!tpu.dma_semaphore, #tpu.memory_space<semaphore_mem>>
      %dma_start3A = arith.constant 0 : i32
      %dma_start3A_76 = tpu.memref_slice %arg8[%add3A_47, %dma_start3A] : memref<20224x128xf32, #tpu.memory_space<hbm>> -> memref<128x128xf32, #tpu.memory_space<hbm>>
      %dma_start3A_77 = arith.constant 0 : i32
      %dma_start3A_78 = tpu.memref_slice %arg8[%add3A_47, %dma_start3A_77] : memref<20224x128xf32, #tpu.memory_space<hbm>> -> memref<128x128xf32, #tpu.memory_space<hbm>>
      tpu.enqueue_dma source(%arg14 : memref<128x128xf32, #tpu.memory_space<vmem>>) target(%dma_start3A_78 : memref<128x128xf32, #tpu.memory_space<hbm>>) target_semaphore(%run_scoped3A : memref<!tpu.dma_semaphore, #tpu.memory_space<semaphore_mem>>)
      %dma_wait3A = arith.constant 0 : i32
      %dma_wait3A_79 = tpu.memref_slice %arg8[%add3A_47, %dma_wait3A] : memref<20224x128xf32, #tpu.memory_space<hbm>> -> memref<128x128xf32, #tpu.memory_space<hbm>>
      %dma_wait3A_80 = arith.constant 0 : i32
      %dma_wait3A_81 = tpu.memref_slice %arg8[%add3A_47, %dma_wait3A_80] : memref<20224x128xf32, #tpu.memory_space<hbm>> -> memref<128x128xf32, #tpu.memory_space<hbm>>
      tpu.wait_dma2 semaphore(%run_scoped3A : memref<!tpu.dma_semaphore, #tpu.memory_space<semaphore_mem>>) src(%arg14 : memref<128x128xf32, #tpu.memory_space<vmem>>) dst(%dma_wait3A_81 : memref<128x128xf32, #tpu.memory_space<hbm>>)
      tpu.yield
    }) : () -> ()
    %add3A_48 = arith.constant 384 : i32
    %add3A_49 = arith.addi %mul3A_2, %add3A_48 : i32
    "tpu.region"() ({
      %run_scoped3A = tpu.sem_alloc : memref<!tpu.dma_semaphore, #tpu.memory_space<semaphore_mem>>
      %dma_start3A = arith.constant 0 : i32
      %dma_start3A_76 = tpu.memref_slice %arg10[%add3A_49, %dma_start3A] : memref<10112x128xf32, #tpu.memory_space<vmem_shared>> -> memref<128x128xf32, #tpu.memory_space<vmem_shared>>
      %dma_start3A_77 = arith.constant 0 : i32
      %dma_start3A_78 = tpu.memref_slice %arg10[%add3A_49, %dma_start3A_77] : memref<10112x128xf32, #tpu.memory_space<vmem_shared>> -> memref<128x128xf32, #tpu.memory_space<vmem_shared>>
      tpu.enqueue_dma source(%dma_start3A_78 : memref<128x128xf32, #tpu.memory_space<vmem_shared>>) target(%arg14 : memref<128x128xf32, #tpu.memory_space<vmem>>) target_semaphore(%run_scoped3A : memref<!tpu.dma_semaphore, #tpu.memory_space<semaphore_mem>>)
      %dma_wait3A = arith.constant 0 : i32
      %dma_wait3A_79 = tpu.memref_slice %arg10[%add3A_49, %dma_wait3A] : memref<10112x128xf32, #tpu.memory_space<vmem_shared>> -> memref<128x128xf32, #tpu.memory_space<vmem_shared>>
      %dma_wait3A_80 = arith.constant 0 : i32
      %dma_wait3A_81 = tpu.memref_slice %arg10[%add3A_49, %dma_wait3A_80] : memref<10112x128xf32, #tpu.memory_space<vmem_shared>> -> memref<128x128xf32, #tpu.memory_space<vmem_shared>>
      tpu.wait_dma2 semaphore(%run_scoped3A : memref<!tpu.dma_semaphore, #tpu.memory_space<semaphore_mem>>) src(%dma_wait3A_81 : memref<128x128xf32, #tpu.memory_space<vmem_shared>>) dst(%arg14 : memref<128x128xf32, #tpu.memory_space<vmem>>)
      tpu.yield
    }) : () -> ()
    %add3A_50 = arith.constant 384 : i32
    %add3A_51 = arith.addi %add3A_35, %add3A_50 : i32
    "tpu.region"() ({
      %run_scoped3A = tpu.sem_alloc : memref<!tpu.dma_semaphore, #tpu.memory_space<semaphore_mem>>
      %dma_start3A = arith.constant 0 : i32
      %dma_start3A_76 = tpu.memref_slice %arg8[%add3A_51, %dma_start3A] : memref<20224x128xf32, #tpu.memory_space<hbm>> -> memref<128x128xf32, #tpu.memory_space<hbm>>
      %dma_start3A_77 = arith.constant 0 : i32
      %dma_start3A_78 = tpu.memref_slice %arg8[%add3A_51, %dma_start3A_77] : memref<20224x128xf32, #tpu.memory_space<hbm>> -> memref<128x128xf32, #tpu.memory_space<hbm>>
      tpu.enqueue_dma source(%arg14 : memref<128x128xf32, #tpu.memory_space<vmem>>) target(%dma_start3A_78 : memref<128x128xf32, #tpu.memory_space<hbm>>) target_semaphore(%run_scoped3A : memref<!tpu.dma_semaphore, #tpu.memory_space<semaphore_mem>>)
      %dma_wait3A = arith.constant 0 : i32
      %dma_wait3A_79 = tpu.memref_slice %arg8[%add3A_51, %dma_wait3A] : memref<20224x128xf32, #tpu.memory_space<hbm>> -> memref<128x128xf32, #tpu.memory_space<hbm>>
      %dma_wait3A_80 = arith.constant 0 : i32
      %dma_wait3A_81 = tpu.memref_slice %arg8[%add3A_51, %dma_wait3A_80] : memref<20224x128xf32, #tpu.memory_space<hbm>> -> memref<128x128xf32, #tpu.memory_space<hbm>>
      tpu.wait_dma2 semaphore(%run_scoped3A : memref<!tpu.dma_semaphore, #tpu.memory_space<semaphore_mem>>) src(%arg14 : memref<128x128xf32, #tpu.memory_space<vmem>>) dst(%dma_wait3A_81 : memref<128x128xf32, #tpu.memory_space<hbm>>)
      tpu.yield
    }) : () -> ()
    %add3A_52 = arith.constant 504 : i32
    %add3A_53 = arith.addi %mul3A_2, %add3A_52 : i32
    "tpu.region"() ({
      %run_scoped3A = tpu.sem_alloc : memref<!tpu.dma_semaphore, #tpu.memory_space<semaphore_mem>>
      %dma_start3A = arith.constant 0 : i32
      %dma_start3A_76 = tpu.memref_slice %arg10[%add3A_53, %dma_start3A] : memref<10112x128xf32, #tpu.memory_space<vmem_shared>> -> memref<128x128xf32, #tpu.memory_space<vmem_shared>>
      %dma_start3A_77 = arith.constant 0 : i32
      %dma_start3A_78 = tpu.memref_slice %arg10[%add3A_53, %dma_start3A_77] : memref<10112x128xf32, #tpu.memory_space<vmem_shared>> -> memref<128x128xf32, #tpu.memory_space<vmem_shared>>
      tpu.enqueue_dma source(%dma_start3A_78 : memref<128x128xf32, #tpu.memory_space<vmem_shared>>) target(%arg14 : memref<128x128xf32, #tpu.memory_space<vmem>>) target_semaphore(%run_scoped3A : memref<!tpu.dma_semaphore, #tpu.memory_space<semaphore_mem>>)
      %dma_wait3A = arith.constant 0 : i32
      %dma_wait3A_79 = tpu.memref_slice %arg10[%add3A_53, %dma_wait3A] : memref<10112x128xf32, #tpu.memory_space<vmem_shared>> -> memref<128x128xf32, #tpu.memory_space<vmem_shared>>
      %dma_wait3A_80 = arith.constant 0 : i32
      %dma_wait3A_81 = tpu.memref_slice %arg10[%add3A_53, %dma_wait3A_80] : memref<10112x128xf32, #tpu.memory_space<vmem_shared>> -> memref<128x128xf32, #tpu.memory_space<vmem_shared>>
      tpu.wait_dma2 semaphore(%run_scoped3A : memref<!tpu.dma_semaphore, #tpu.memory_space<semaphore_mem>>) src(%dma_wait3A_81 : memref<128x128xf32, #tpu.memory_space<vmem_shared>>) dst(%arg14 : memref<128x128xf32, #tpu.memory_space<vmem>>)
      tpu.yield
    }) : () -> ()
    %add3A_54 = arith.constant 504 : i32
    %add3A_55 = arith.addi %add3A_35, %add3A_54 : i32
    "tpu.region"() ({
      %run_scoped3A = tpu.sem_alloc : memref<!tpu.dma_semaphore, #tpu.memory_space<semaphore_mem>>
      %dma_start3A = arith.constant 0 : i32
      %dma_start3A_76 = tpu.memref_slice %arg8[%add3A_55, %dma_start3A] : memref<20224x128xf32, #tpu.memory_space<hbm>> -> memref<128x128xf32, #tpu.memory_space<hbm>>
      %dma_start3A_77 = arith.constant 0 : i32
      %dma_start3A_78 = tpu.memref_slice %arg8[%add3A_55, %dma_start3A_77] : memref<20224x128xf32, #tpu.memory_space<hbm>> -> memref<128x128xf32, #tpu.memory_space<hbm>>
      tpu.enqueue_dma source(%arg14 : memref<128x128xf32, #tpu.memory_space<vmem>>) target(%dma_start3A_78 : memref<128x128xf32, #tpu.memory_space<hbm>>) target_semaphore(%run_scoped3A : memref<!tpu.dma_semaphore, #tpu.memory_space<semaphore_mem>>)
      %dma_wait3A = arith.constant 0 : i32
      %dma_wait3A_79 = tpu.memref_slice %arg8[%add3A_55, %dma_wait3A] : memref<20224x128xf32, #tpu.memory_space<hbm>> -> memref<128x128xf32, #tpu.memory_space<hbm>>
      %dma_wait3A_80 = arith.constant 0 : i32
      %dma_wait3A_81 = tpu.memref_slice %arg8[%add3A_55, %dma_wait3A_80] : memref<20224x128xf32, #tpu.memory_space<hbm>> -> memref<128x128xf32, #tpu.memory_space<hbm>>
      tpu.wait_dma2 semaphore(%run_scoped3A : memref<!tpu.dma_semaphore, #tpu.memory_space<semaphore_mem>>) src(%arg14 : memref<128x128xf32, #tpu.memory_space<vmem>>) dst(%dma_wait3A_81 : memref<128x128xf32, #tpu.memory_space<hbm>>)
      tpu.yield
    }) : () -> ()
    %add3A_56 = arith.constant 0 : i32
    %add3A_57 = arith.addi %mul3A_2, %add3A_56 : i32
    "tpu.region"() ({
      %run_scoped3A = tpu.sem_alloc : memref<!tpu.dma_semaphore, #tpu.memory_space<semaphore_mem>>
      %dma_start3A = tpu.memref_slice %arg11[%add3A_57] : memref<10112xf32, #tpu.memory_space<vmem_shared>> -> memref<128xf32, #tpu.memory_space<vmem_shared>>
      %dma_start3A_76 = tpu.memref_slice %arg11[%add3A_57] : memref<10112xf32, #tpu.memory_space<vmem_shared>> -> memref<128xf32, #tpu.memory_space<vmem_shared>>
      tpu.enqueue_dma source(%dma_start3A_76 : memref<128xf32, #tpu.memory_space<vmem_shared>>) target(%arg15 : memref<128xf32, #tpu.memory_space<vmem>>) target_semaphore(%run_scoped3A : memref<!tpu.dma_semaphore, #tpu.memory_space<semaphore_mem>>)
      %dma_wait3A = tpu.memref_slice %arg11[%add3A_57] : memref<10112xf32, #tpu.memory_space<vmem_shared>> -> memref<128xf32, #tpu.memory_space<vmem_shared>>
      %dma_wait3A_77 = tpu.memref_slice %arg11[%add3A_57] : memref<10112xf32, #tpu.memory_space<vmem_shared>> -> memref<128xf32, #tpu.memory_space<vmem_shared>>
      tpu.wait_dma2 semaphore(%run_scoped3A : memref<!tpu.dma_semaphore, #tpu.memory_space<semaphore_mem>>) src(%dma_wait3A_77 : memref<128xf32, #tpu.memory_space<vmem_shared>>) dst(%arg15 : memref<128xf32, #tpu.memory_space<vmem>>)
      tpu.yield
    }) : () -> ()
    %add3A_58 = arith.constant 0 : i32
    %add3A_59 = arith.addi %add3A_35, %add3A_58 : i32
    "tpu.region"() ({
      %run_scoped3A = tpu.sem_alloc : memref<!tpu.dma_semaphore, #tpu.memory_space<semaphore_mem>>
      %dma_start3A = tpu.memref_slice %arg9[%add3A_59] : memref<20224xf32, #tpu.memory_space<hbm>> -> memref<128xf32, #tpu.memory_space<hbm>>
      %dma_start3A_76 = tpu.memref_slice %arg9[%add3A_59] : memref<20224xf32, #tpu.memory_space<hbm>> -> memref<128xf32, #tpu.memory_space<hbm>>
      tpu.enqueue_dma source(%arg15 : memref<128xf32, #tpu.memory_space<vmem>>) target(%dma_start3A_76 : memref<128xf32, #tpu.memory_space<hbm>>) target_semaphore(%run_scoped3A : memref<!tpu.dma_semaphore, #tpu.memory_space<semaphore_mem>>)
      %dma_wait3A = tpu.memref_slice %arg9[%add3A_59] : memref<20224xf32, #tpu.memory_space<hbm>> -> memref<128xf32, #tpu.memory_space<hbm>>
      %dma_wait3A_77 = tpu.memref_slice %arg9[%add3A_59] : memref<20224xf32, #tpu.memory_space<hbm>> -> memref<128xf32, #tpu.memory_space<hbm>>
      tpu.wait_dma2 semaphore(%run_scoped3A : memref<!tpu.dma_semaphore, #tpu.memory_space<semaphore_mem>>) src(%arg15 : memref<128xf32, #tpu.memory_space<vmem>>) dst(%dma_wait3A_77 : memref<128xf32, #tpu.memory_space<hbm>>)
      tpu.yield
    }) : () -> ()
    %add3A_60 = arith.constant 128 : i32
    %add3A_61 = arith.addi %mul3A_2, %add3A_60 : i32
    "tpu.region"() ({
      %run_scoped3A = tpu.sem_alloc : memref<!tpu.dma_semaphore, #tpu.memory_space<semaphore_mem>>
      %dma_start3A = tpu.memref_slice %arg11[%add3A_61] : memref<10112xf32, #tpu.memory_space<vmem_shared>> -> memref<128xf32, #tpu.memory_space<vmem_shared>>
      %dma_start3A_76 = tpu.memref_slice %arg11[%add3A_61] : memref<10112xf32, #tpu.memory_space<vmem_shared>> -> memref<128xf32, #tpu.memory_space<vmem_shared>>
      tpu.enqueue_dma source(%dma_start3A_76 : memref<128xf32, #tpu.memory_space<vmem_shared>>) target(%arg15 : memref<128xf32, #tpu.memory_space<vmem>>) target_semaphore(%run_scoped3A : memref<!tpu.dma_semaphore, #tpu.memory_space<semaphore_mem>>)
      %dma_wait3A = tpu.memref_slice %arg11[%add3A_61] : memref<10112xf32, #tpu.memory_space<vmem_shared>> -> memref<128xf32, #tpu.memory_space<vmem_shared>>
      %dma_wait3A_77 = tpu.memref_slice %arg11[%add3A_61] : memref<10112xf32, #tpu.memory_space<vmem_shared>> -> memref<128xf32, #tpu.memory_space<vmem_shared>>
      tpu.wait_dma2 semaphore(%run_scoped3A : memref<!tpu.dma_semaphore, #tpu.memory_space<semaphore_mem>>) src(%dma_wait3A_77 : memref<128xf32, #tpu.memory_space<vmem_shared>>) dst(%arg15 : memref<128xf32, #tpu.memory_space<vmem>>)
      tpu.yield
    }) : () -> ()
    %add3A_62 = arith.constant 128 : i32
    %add3A_63 = arith.addi %add3A_35, %add3A_62 : i32
    "tpu.region"() ({
      %run_scoped3A = tpu.sem_alloc : memref<!tpu.dma_semaphore, #tpu.memory_space<semaphore_mem>>
      %dma_start3A = tpu.memref_slice %arg9[%add3A_63] : memref<20224xf32, #tpu.memory_space<hbm>> -> memref<128xf32, #tpu.memory_space<hbm>>
      %dma_start3A_76 = tpu.memref_slice %arg9[%add3A_63] : memref<20224xf32, #tpu.memory_space<hbm>> -> memref<128xf32, #tpu.memory_space<hbm>>
      tpu.enqueue_dma source(%arg15 : memref<128xf32, #tpu.memory_space<vmem>>) target(%dma_start3A_76 : memref<128xf32, #tpu.memory_space<hbm>>) target_semaphore(%run_scoped3A : memref<!tpu.dma_semaphore, #tpu.memory_space<semaphore_mem>>)
      %dma_wait3A = tpu.memref_slice %arg9[%add3A_63] : memref<20224xf32, #tpu.memory_space<hbm>> -> memref<128xf32, #tpu.memory_space<hbm>>
      %dma_wait3A_77 = tpu.memref_slice %arg9[%add3A_63] : memref<20224xf32, #tpu.memory_space<hbm>> -> memref<128xf32, #tpu.memory_space<hbm>>
      tpu.wait_dma2 semaphore(%run_scoped3A : memref<!tpu.dma_semaphore, #tpu.memory_space<semaphore_mem>>) src(%arg15 : memref<128xf32, #tpu.memory_space<vmem>>) dst(%dma_wait3A_77 : memref<128xf32, #tpu.memory_space<hbm>>)
      tpu.yield
    }) : () -> ()
    %add3A_64 = arith.constant 256 : i32
    %add3A_65 = arith.addi %mul3A_2, %add3A_64 : i32
    "tpu.region"() ({
      %run_scoped3A = tpu.sem_alloc : memref<!tpu.dma_semaphore, #tpu.memory_space<semaphore_mem>>
      %dma_start3A = tpu.memref_slice %arg11[%add3A_65] : memref<10112xf32, #tpu.memory_space<vmem_shared>> -> memref<128xf32, #tpu.memory_space<vmem_shared>>
      %dma_start3A_76 = tpu.memref_slice %arg11[%add3A_65] : memref<10112xf32, #tpu.memory_space<vmem_shared>> -> memref<128xf32, #tpu.memory_space<vmem_shared>>
      tpu.enqueue_dma source(%dma_start3A_76 : memref<128xf32, #tpu.memory_space<vmem_shared>>) target(%arg15 : memref<128xf32, #tpu.memory_space<vmem>>) target_semaphore(%run_scoped3A : memref<!tpu.dma_semaphore, #tpu.memory_space<semaphore_mem>>)
      %dma_wait3A = tpu.memref_slice %arg11[%add3A_65] : memref<10112xf32, #tpu.memory_space<vmem_shared>> -> memref<128xf32, #tpu.memory_space<vmem_shared>>
      %dma_wait3A_77 = tpu.memref_slice %arg11[%add3A_65] : memref<10112xf32, #tpu.memory_space<vmem_shared>> -> memref<128xf32, #tpu.memory_space<vmem_shared>>
      tpu.wait_dma2 semaphore(%run_scoped3A : memref<!tpu.dma_semaphore, #tpu.memory_space<semaphore_mem>>) src(%dma_wait3A_77 : memref<128xf32, #tpu.memory_space<vmem_shared>>) dst(%arg15 : memref<128xf32, #tpu.memory_space<vmem>>)
      tpu.yield
    }) : () -> ()
    %add3A_66 = arith.constant 256 : i32
    %add3A_67 = arith.addi %add3A_35, %add3A_66 : i32
    "tpu.region"() ({
      %run_scoped3A = tpu.sem_alloc : memref<!tpu.dma_semaphore, #tpu.memory_space<semaphore_mem>>
      %dma_start3A = tpu.memref_slice %arg9[%add3A_67] : memref<20224xf32, #tpu.memory_space<hbm>> -> memref<128xf32, #tpu.memory_space<hbm>>
      %dma_start3A_76 = tpu.memref_slice %arg9[%add3A_67] : memref<20224xf32, #tpu.memory_space<hbm>> -> memref<128xf32, #tpu.memory_space<hbm>>
      tpu.enqueue_dma source(%arg15 : memref<128xf32, #tpu.memory_space<vmem>>) target(%dma_start3A_76 : memref<128xf32, #tpu.memory_space<hbm>>) target_semaphore(%run_scoped3A : memref<!tpu.dma_semaphore, #tpu.memory_space<semaphore_mem>>)
      %dma_wait3A = tpu.memref_slice %arg9[%add3A_67] : memref<20224xf32, #tpu.memory_space<hbm>> -> memref<128xf32, #tpu.memory_space<hbm>>
      %dma_wait3A_77 = tpu.memref_slice %arg9[%add3A_67] : memref<20224xf32, #tpu.memory_space<hbm>> -> memref<128xf32, #tpu.memory_space<hbm>>
      tpu.wait_dma2 semaphore(%run_scoped3A : memref<!tpu.dma_semaphore, #tpu.memory_space<semaphore_mem>>) src(%arg15 : memref<128xf32, #tpu.memory_space<vmem>>) dst(%dma_wait3A_77 : memref<128xf32, #tpu.memory_space<hbm>>)
      tpu.yield
    }) : () -> ()
    %add3A_68 = arith.constant 384 : i32
    %add3A_69 = arith.addi %mul3A_2, %add3A_68 : i32
    "tpu.region"() ({
      %run_scoped3A = tpu.sem_alloc : memref<!tpu.dma_semaphore, #tpu.memory_space<semaphore_mem>>
      %dma_start3A = tpu.memref_slice %arg11[%add3A_69] : memref<10112xf32, #tpu.memory_space<vmem_shared>> -> memref<128xf32, #tpu.memory_space<vmem_shared>>
      %dma_start3A_76 = tpu.memref_slice %arg11[%add3A_69] : memref<10112xf32, #tpu.memory_space<vmem_shared>> -> memref<128xf32, #tpu.memory_space<vmem_shared>>
      tpu.enqueue_dma source(%dma_start3A_76 : memref<128xf32, #tpu.memory_space<vmem_shared>>) target(%arg15 : memref<128xf32, #tpu.memory_space<vmem>>) target_semaphore(%run_scoped3A : memref<!tpu.dma_semaphore, #tpu.memory_space<semaphore_mem>>)
      %dma_wait3A = tpu.memref_slice %arg11[%add3A_69] : memref<10112xf32, #tpu.memory_space<vmem_shared>> -> memref<128xf32, #tpu.memory_space<vmem_shared>>
      %dma_wait3A_77 = tpu.memref_slice %arg11[%add3A_69] : memref<10112xf32, #tpu.memory_space<vmem_shared>> -> memref<128xf32, #tpu.memory_space<vmem_shared>>
      tpu.wait_dma2 semaphore(%run_scoped3A : memref<!tpu.dma_semaphore, #tpu.memory_space<semaphore_mem>>) src(%dma_wait3A_77 : memref<128xf32, #tpu.memory_space<vmem_shared>>) dst(%arg15 : memref<128xf32, #tpu.memory_space<vmem>>)
      tpu.yield
    }) : () -> ()
    %add3A_70 = arith.constant 384 : i32
    %add3A_71 = arith.addi %add3A_35, %add3A_70 : i32
    "tpu.region"() ({
      %run_scoped3A = tpu.sem_alloc : memref<!tpu.dma_semaphore, #tpu.memory_space<semaphore_mem>>
      %dma_start3A = tpu.memref_slice %arg9[%add3A_71] : memref<20224xf32, #tpu.memory_space<hbm>> -> memref<128xf32, #tpu.memory_space<hbm>>
      %dma_start3A_76 = tpu.memref_slice %arg9[%add3A_71] : memref<20224xf32, #tpu.memory_space<hbm>> -> memref<128xf32, #tpu.memory_space<hbm>>
      tpu.enqueue_dma source(%arg15 : memref<128xf32, #tpu.memory_space<vmem>>) target(%dma_start3A_76 : memref<128xf32, #tpu.memory_space<hbm>>) target_semaphore(%run_scoped3A : memref<!tpu.dma_semaphore, #tpu.memory_space<semaphore_mem>>)
      %dma_wait3A = tpu.memref_slice %arg9[%add3A_71] : memref<20224xf32, #tpu.memory_space<hbm>> -> memref<128xf32, #tpu.memory_space<hbm>>
      %dma_wait3A_77 = tpu.memref_slice %arg9[%add3A_71] : memref<20224xf32, #tpu.memory_space<hbm>> -> memref<128xf32, #tpu.memory_space<hbm>>
      tpu.wait_dma2 semaphore(%run_scoped3A : memref<!tpu.dma_semaphore, #tpu.memory_space<semaphore_mem>>) src(%arg15 : memref<128xf32, #tpu.memory_space<vmem>>) dst(%dma_wait3A_77 : memref<128xf32, #tpu.memory_space<hbm>>)
      tpu.yield
    }) : () -> ()
    %add3A_72 = arith.constant 504 : i32
    %add3A_73 = arith.addi %mul3A_2, %add3A_72 : i32
    "tpu.region"() ({
      %run_scoped3A = tpu.sem_alloc : memref<!tpu.dma_semaphore, #tpu.memory_space<semaphore_mem>>
      %dma_start3A = tpu.memref_slice %arg11[%add3A_73] : memref<10112xf32, #tpu.memory_space<vmem_shared>> -> memref<128xf32, #tpu.memory_space<vmem_shared>>
      %dma_start3A_76 = tpu.memref_slice %arg11[%add3A_73] : memref<10112xf32, #tpu.memory_space<vmem_shared>> -> memref<128xf32, #tpu.memory_space<vmem_shared>>
      tpu.enqueue_dma source(%dma_start3A_76 : memref<128xf32, #tpu.memory_space<vmem_shared>>) target(%arg15 : memref<128xf32, #tpu.memory_space<vmem>>) target_semaphore(%run_scoped3A : memref<!tpu.dma_semaphore, #tpu.memory_space<semaphore_mem>>)
      %dma_wait3A = tpu.memref_slice %arg11[%add3A_73] : memref<10112xf32, #tpu.memory_space<vmem_shared>> -> memref<128xf32, #tpu.memory_space<vmem_shared>>
      %dma_wait3A_77 = tpu.memref_slice %arg11[%add3A_73] : memref<10112xf32, #tpu.memory_space<vmem_shared>> -> memref<128xf32, #tpu.memory_space<vmem_shared>>
      tpu.wait_dma2 semaphore(%run_scoped3A : memref<!tpu.dma_semaphore, #tpu.memory_space<semaphore_mem>>) src(%dma_wait3A_77 : memref<128xf32, #tpu.memory_space<vmem_shared>>) dst(%arg15 : memref<128xf32, #tpu.memory_space<vmem>>)
      tpu.yield
    }) : () -> ()
    %add3A_74 = arith.constant 504 : i32
    %add3A_75 = arith.addi %add3A_35, %add3A_74 : i32
    "tpu.region"() ({
      %run_scoped3A = tpu.sem_alloc : memref<!tpu.dma_semaphore, #tpu.memory_space<semaphore_mem>>
      %dma_start3A = tpu.memref_slice %arg9[%add3A_75] : memref<20224xf32, #tpu.memory_space<hbm>> -> memref<128xf32, #tpu.memory_space<hbm>>
      %dma_start3A_76 = tpu.memref_slice %arg9[%add3A_75] : memref<20224xf32, #tpu.memory_space<hbm>> -> memref<128xf32, #tpu.memory_space<hbm>>
      tpu.enqueue_dma source(%arg15 : memref<128xf32, #tpu.memory_space<vmem>>) target(%dma_start3A_76 : memref<128xf32, #tpu.memory_space<hbm>>) target_semaphore(%run_scoped3A : memref<!tpu.dma_semaphore, #tpu.memory_space<semaphore_mem>>)
      %dma_wait3A = tpu.memref_slice %arg9[%add3A_75] : memref<20224xf32, #tpu.memory_space<hbm>> -> memref<128xf32, #tpu.memory_space<hbm>>
      %dma_wait3A_77 = tpu.memref_slice %arg9[%add3A_75] : memref<20224xf32, #tpu.memory_space<hbm>> -> memref<128xf32, #tpu.memory_space<hbm>>
      tpu.wait_dma2 semaphore(%run_scoped3A : memref<!tpu.dma_semaphore, #tpu.memory_space<semaphore_mem>>) src(%arg15 : memref<128xf32, #tpu.memory_space<vmem>>) dst(%dma_wait3A_77 : memref<128xf32, #tpu.memory_space<hbm>>)
      tpu.yield
    }) : () -> ()
    return
  }
}

#map = affine_map<(d0, d1) -> (0, 0)>
#map1 = affine_map<(d0, d1) -> (0)>
module attributes {stable_mosaic.version = 14 : i64} {
  func.func @_sc_agg_body(%arg0: i32, %arg1: i32, %arg2: memref<10000x128xf32, #tpu.memory_space<hbm>>, %arg3: memref<327680xi32, #tpu.memory_space<hbm>>, %arg4: memref<327680xi32, #tpu.memory_space<hbm>>, %arg5: memref<128x128xf32, #tpu.memory_space<hbm>>, %arg6: memref<20224x128xf32, #tpu.memory_space<hbm>>, %arg7: memref<10112x128xf32, #tpu.memory_space<vmem_shared>>, %arg8: memref<128xi32, #tpu.memory_space<vmem>>, %arg9: memref<128xi32, #tpu.memory_space<vmem>>, %arg10: memref<128x128xf32, #tpu.memory_space<vmem>>, %arg11: memref<!tpu.dma_semaphore, #tpu.memory_space<semaphore_mem>>) attributes {dimension_semantics = [#tpu.dimension_semantics<core_parallel>, #tpu.dimension_semantics<subcore_parallel>], iteration_bounds = array<i64: 2, 16>, scalar_prefetch = 0 : i64, scratch_operands = 5 : i64, tpu.core_type = #tpu.core_type<sc_vector_subcore>, window_params = [{transform_indices = #map}, {transform_indices = #map1}, {transform_indices = #map1}, {transform_indices = #map}, {transform_indices = #map}]} {
    %mul3A = arith.constant 16 : i32
    %mul3A_0 = arith.muli %arg0, %mul3A : i32
    %add3A = arith.addi %mul3A_0, %arg1 : i32
    %mul3A_1 = arith.constant 632 : i32
    %mul3A_2 = arith.muli %arg1, %mul3A_1 : i32
    %mul3A_3 = arith.constant 80 : i32
    %mul3A_4 = arith.muli %add3A, %mul3A_3 : i32
    %mul3A_5 = arith.constant 128 : i32
    %mul3A_6 = arith.muli %mul3A_4, %mul3A_5 : i32
    "tpu.region"() ({
      %run_scoped3A = tpu.sem_alloc : memref<!tpu.dma_semaphore, #tpu.memory_space<semaphore_mem>>
      tpu.enqueue_dma source(%arg5 : memref<128x128xf32, #tpu.memory_space<hbm>>) target(%arg10 : memref<128x128xf32, #tpu.memory_space<vmem>>) target_semaphore(%run_scoped3A : memref<!tpu.dma_semaphore, #tpu.memory_space<semaphore_mem>>)
      tpu.wait_dma2 semaphore(%run_scoped3A : memref<!tpu.dma_semaphore, #tpu.memory_space<semaphore_mem>>) src(%arg5 : memref<128x128xf32, #tpu.memory_space<hbm>>) dst(%arg10 : memref<128x128xf32, #tpu.memory_space<vmem>>)
      tpu.yield
    }) : () -> ()
    %add3A_7 = arith.constant 0 : i32
    %add3A_8 = arith.addi %mul3A_2, %add3A_7 : i32
    "tpu.region"() ({
      %run_scoped3A = tpu.sem_alloc : memref<!tpu.dma_semaphore, #tpu.memory_space<semaphore_mem>>
      %dma_start3A = arith.constant 0 : i32
      %dma_start3A_46 = tpu.memref_slice %arg7[%add3A_8, %dma_start3A] : memref<10112x128xf32, #tpu.memory_space<vmem_shared>> -> memref<128x128xf32, #tpu.memory_space<vmem_shared>>
      %dma_start3A_47 = arith.constant 0 : i32
      %dma_start3A_48 = tpu.memref_slice %arg7[%add3A_8, %dma_start3A_47] : memref<10112x128xf32, #tpu.memory_space<vmem_shared>> -> memref<128x128xf32, #tpu.memory_space<vmem_shared>>
      tpu.enqueue_dma source(%arg10 : memref<128x128xf32, #tpu.memory_space<vmem>>) target(%dma_start3A_48 : memref<128x128xf32, #tpu.memory_space<vmem_shared>>) target_semaphore(%run_scoped3A : memref<!tpu.dma_semaphore, #tpu.memory_space<semaphore_mem>>)
      %dma_wait3A = arith.constant 0 : i32
      %dma_wait3A_49 = tpu.memref_slice %arg7[%add3A_8, %dma_wait3A] : memref<10112x128xf32, #tpu.memory_space<vmem_shared>> -> memref<128x128xf32, #tpu.memory_space<vmem_shared>>
      %dma_wait3A_50 = arith.constant 0 : i32
      %dma_wait3A_51 = tpu.memref_slice %arg7[%add3A_8, %dma_wait3A_50] : memref<10112x128xf32, #tpu.memory_space<vmem_shared>> -> memref<128x128xf32, #tpu.memory_space<vmem_shared>>
      tpu.wait_dma2 semaphore(%run_scoped3A : memref<!tpu.dma_semaphore, #tpu.memory_space<semaphore_mem>>) src(%arg10 : memref<128x128xf32, #tpu.memory_space<vmem>>) dst(%dma_wait3A_51 : memref<128x128xf32, #tpu.memory_space<vmem_shared>>)
      tpu.yield
    }) : () -> ()
    %add3A_9 = arith.constant 128 : i32
    %add3A_10 = arith.addi %mul3A_2, %add3A_9 : i32
    "tpu.region"() ({
      %run_scoped3A = tpu.sem_alloc : memref<!tpu.dma_semaphore, #tpu.memory_space<semaphore_mem>>
      %dma_start3A = arith.constant 0 : i32
      %dma_start3A_46 = tpu.memref_slice %arg7[%add3A_10, %dma_start3A] : memref<10112x128xf32, #tpu.memory_space<vmem_shared>> -> memref<128x128xf32, #tpu.memory_space<vmem_shared>>
      %dma_start3A_47 = arith.constant 0 : i32
      %dma_start3A_48 = tpu.memref_slice %arg7[%add3A_10, %dma_start3A_47] : memref<10112x128xf32, #tpu.memory_space<vmem_shared>> -> memref<128x128xf32, #tpu.memory_space<vmem_shared>>
      tpu.enqueue_dma source(%arg10 : memref<128x128xf32, #tpu.memory_space<vmem>>) target(%dma_start3A_48 : memref<128x128xf32, #tpu.memory_space<vmem_shared>>) target_semaphore(%run_scoped3A : memref<!tpu.dma_semaphore, #tpu.memory_space<semaphore_mem>>)
      %dma_wait3A = arith.constant 0 : i32
      %dma_wait3A_49 = tpu.memref_slice %arg7[%add3A_10, %dma_wait3A] : memref<10112x128xf32, #tpu.memory_space<vmem_shared>> -> memref<128x128xf32, #tpu.memory_space<vmem_shared>>
      %dma_wait3A_50 = arith.constant 0 : i32
      %dma_wait3A_51 = tpu.memref_slice %arg7[%add3A_10, %dma_wait3A_50] : memref<10112x128xf32, #tpu.memory_space<vmem_shared>> -> memref<128x128xf32, #tpu.memory_space<vmem_shared>>
      tpu.wait_dma2 semaphore(%run_scoped3A : memref<!tpu.dma_semaphore, #tpu.memory_space<semaphore_mem>>) src(%arg10 : memref<128x128xf32, #tpu.memory_space<vmem>>) dst(%dma_wait3A_51 : memref<128x128xf32, #tpu.memory_space<vmem_shared>>)
      tpu.yield
    }) : () -> ()
    %add3A_11 = arith.constant 256 : i32
    %add3A_12 = arith.addi %mul3A_2, %add3A_11 : i32
    "tpu.region"() ({
      %run_scoped3A = tpu.sem_alloc : memref<!tpu.dma_semaphore, #tpu.memory_space<semaphore_mem>>
      %dma_start3A = arith.constant 0 : i32
      %dma_start3A_46 = tpu.memref_slice %arg7[%add3A_12, %dma_start3A] : memref<10112x128xf32, #tpu.memory_space<vmem_shared>> -> memref<128x128xf32, #tpu.memory_space<vmem_shared>>
      %dma_start3A_47 = arith.constant 0 : i32
      %dma_start3A_48 = tpu.memref_slice %arg7[%add3A_12, %dma_start3A_47] : memref<10112x128xf32, #tpu.memory_space<vmem_shared>> -> memref<128x128xf32, #tpu.memory_space<vmem_shared>>
      tpu.enqueue_dma source(%arg10 : memref<128x128xf32, #tpu.memory_space<vmem>>) target(%dma_start3A_48 : memref<128x128xf32, #tpu.memory_space<vmem_shared>>) target_semaphore(%run_scoped3A : memref<!tpu.dma_semaphore, #tpu.memory_space<semaphore_mem>>)
      %dma_wait3A = arith.constant 0 : i32
      %dma_wait3A_49 = tpu.memref_slice %arg7[%add3A_12, %dma_wait3A] : memref<10112x128xf32, #tpu.memory_space<vmem_shared>> -> memref<128x128xf32, #tpu.memory_space<vmem_shared>>
      %dma_wait3A_50 = arith.constant 0 : i32
      %dma_wait3A_51 = tpu.memref_slice %arg7[%add3A_12, %dma_wait3A_50] : memref<10112x128xf32, #tpu.memory_space<vmem_shared>> -> memref<128x128xf32, #tpu.memory_space<vmem_shared>>
      tpu.wait_dma2 semaphore(%run_scoped3A : memref<!tpu.dma_semaphore, #tpu.memory_space<semaphore_mem>>) src(%arg10 : memref<128x128xf32, #tpu.memory_space<vmem>>) dst(%dma_wait3A_51 : memref<128x128xf32, #tpu.memory_space<vmem_shared>>)
      tpu.yield
    }) : () -> ()
    %add3A_13 = arith.constant 384 : i32
    %add3A_14 = arith.addi %mul3A_2, %add3A_13 : i32
    "tpu.region"() ({
      %run_scoped3A = tpu.sem_alloc : memref<!tpu.dma_semaphore, #tpu.memory_space<semaphore_mem>>
      %dma_start3A = arith.constant 0 : i32
      %dma_start3A_46 = tpu.memref_slice %arg7[%add3A_14, %dma_start3A] : memref<10112x128xf32, #tpu.memory_space<vmem_shared>> -> memref<128x128xf32, #tpu.memory_space<vmem_shared>>
      %dma_start3A_47 = arith.constant 0 : i32
      %dma_start3A_48 = tpu.memref_slice %arg7[%add3A_14, %dma_start3A_47] : memref<10112x128xf32, #tpu.memory_space<vmem_shared>> -> memref<128x128xf32, #tpu.memory_space<vmem_shared>>
      tpu.enqueue_dma source(%arg10 : memref<128x128xf32, #tpu.memory_space<vmem>>) target(%dma_start3A_48 : memref<128x128xf32, #tpu.memory_space<vmem_shared>>) target_semaphore(%run_scoped3A : memref<!tpu.dma_semaphore, #tpu.memory_space<semaphore_mem>>)
      %dma_wait3A = arith.constant 0 : i32
      %dma_wait3A_49 = tpu.memref_slice %arg7[%add3A_14, %dma_wait3A] : memref<10112x128xf32, #tpu.memory_space<vmem_shared>> -> memref<128x128xf32, #tpu.memory_space<vmem_shared>>
      %dma_wait3A_50 = arith.constant 0 : i32
      %dma_wait3A_51 = tpu.memref_slice %arg7[%add3A_14, %dma_wait3A_50] : memref<10112x128xf32, #tpu.memory_space<vmem_shared>> -> memref<128x128xf32, #tpu.memory_space<vmem_shared>>
      tpu.wait_dma2 semaphore(%run_scoped3A : memref<!tpu.dma_semaphore, #tpu.memory_space<semaphore_mem>>) src(%arg10 : memref<128x128xf32, #tpu.memory_space<vmem>>) dst(%dma_wait3A_51 : memref<128x128xf32, #tpu.memory_space<vmem_shared>>)
      tpu.yield
    }) : () -> ()
    %add3A_15 = arith.constant 504 : i32
    %add3A_16 = arith.addi %mul3A_2, %add3A_15 : i32
    "tpu.region"() ({
      %run_scoped3A = tpu.sem_alloc : memref<!tpu.dma_semaphore, #tpu.memory_space<semaphore_mem>>
      %dma_start3A = arith.constant 0 : i32
      %dma_start3A_46 = tpu.memref_slice %arg7[%add3A_16, %dma_start3A] : memref<10112x128xf32, #tpu.memory_space<vmem_shared>> -> memref<128x128xf32, #tpu.memory_space<vmem_shared>>
      %dma_start3A_47 = arith.constant 0 : i32
      %dma_start3A_48 = tpu.memref_slice %arg7[%add3A_16, %dma_start3A_47] : memref<10112x128xf32, #tpu.memory_space<vmem_shared>> -> memref<128x128xf32, #tpu.memory_space<vmem_shared>>
      tpu.enqueue_dma source(%arg10 : memref<128x128xf32, #tpu.memory_space<vmem>>) target(%dma_start3A_48 : memref<128x128xf32, #tpu.memory_space<vmem_shared>>) target_semaphore(%run_scoped3A : memref<!tpu.dma_semaphore, #tpu.memory_space<semaphore_mem>>)
      %dma_wait3A = arith.constant 0 : i32
      %dma_wait3A_49 = tpu.memref_slice %arg7[%add3A_16, %dma_wait3A] : memref<10112x128xf32, #tpu.memory_space<vmem_shared>> -> memref<128x128xf32, #tpu.memory_space<vmem_shared>>
      %dma_wait3A_50 = arith.constant 0 : i32
      %dma_wait3A_51 = tpu.memref_slice %arg7[%add3A_16, %dma_wait3A_50] : memref<10112x128xf32, #tpu.memory_space<vmem_shared>> -> memref<128x128xf32, #tpu.memory_space<vmem_shared>>
      tpu.wait_dma2 semaphore(%run_scoped3A : memref<!tpu.dma_semaphore, #tpu.memory_space<semaphore_mem>>) src(%arg10 : memref<128x128xf32, #tpu.memory_space<vmem>>) dst(%dma_wait3A_51 : memref<128x128xf32, #tpu.memory_space<vmem_shared>>)
      tpu.yield
    }) : () -> ()
    %barrier3A = arith.constant 0 : index
    tpu.barrier barrier_id(%barrier3A)
    %scan3A = arith.constant 0 : i32
    %scan3A_17 = arith.constant 0 : i32
    %scan3A_18 = arith.constant 80 : i32
    %scan3A_19 = arith.addi %scan3A_17, %scan3A_18 : i32
    %scan3A_20 = arith.constant 1 : i32
    scf.for %scan3A_46 = %scan3A_17 to %scan3A_19 step %scan3A_20  : i32 {
      %mul3A_47 = arith.constant 128 : i32
      %mul3A_48 = arith.muli %scan3A_46, %mul3A_47 : i32
      %add3A_49 = arith.addi %mul3A_6, %mul3A_48 : i32
      "tpu.region"() ({
        %run_scoped3A = tpu.sem_alloc : memref<!tpu.dma_semaphore, #tpu.memory_space<semaphore_mem>>
        %dma_start3A_54 = tpu.memref_slice %arg3[%add3A_49] : memref<327680xi32, #tpu.memory_space<hbm>> -> memref<128xi32, #tpu.memory_space<hbm>>
        %dma_start3A_55 = tpu.memref_slice %arg3[%add3A_49] : memref<327680xi32, #tpu.memory_space<hbm>> -> memref<128xi32, #tpu.memory_space<hbm>>
        tpu.enqueue_dma source(%dma_start3A_55 : memref<128xi32, #tpu.memory_space<hbm>>) target(%arg8 : memref<128xi32, #tpu.memory_space<vmem>>) target_semaphore(%run_scoped3A : memref<!tpu.dma_semaphore, #tpu.memory_space<semaphore_mem>>)
        %dma_wait3A_56 = tpu.memref_slice %arg3[%add3A_49] : memref<327680xi32, #tpu.memory_space<hbm>> -> memref<128xi32, #tpu.memory_space<hbm>>
        %dma_wait3A_57 = tpu.memref_slice %arg3[%add3A_49] : memref<327680xi32, #tpu.memory_space<hbm>> -> memref<128xi32, #tpu.memory_space<hbm>>
        tpu.wait_dma2 semaphore(%run_scoped3A : memref<!tpu.dma_semaphore, #tpu.memory_space<semaphore_mem>>) src(%dma_wait3A_57 : memref<128xi32, #tpu.memory_space<hbm>>) dst(%arg8 : memref<128xi32, #tpu.memory_space<vmem>>)
        tpu.yield
      }) : () -> ()
      "tpu.region"() ({
        %run_scoped3A = tpu.sem_alloc : memref<!tpu.dma_semaphore, #tpu.memory_space<semaphore_mem>>
        %dma_start3A_54 = tpu.memref_slice %arg4[%add3A_49] : memref<327680xi32, #tpu.memory_space<hbm>> -> memref<128xi32, #tpu.memory_space<hbm>>
        %dma_start3A_55 = tpu.memref_slice %arg4[%add3A_49] : memref<327680xi32, #tpu.memory_space<hbm>> -> memref<128xi32, #tpu.memory_space<hbm>>
        tpu.enqueue_dma source(%dma_start3A_55 : memref<128xi32, #tpu.memory_space<hbm>>) target(%arg9 : memref<128xi32, #tpu.memory_space<vmem>>) target_semaphore(%run_scoped3A : memref<!tpu.dma_semaphore, #tpu.memory_space<semaphore_mem>>)
        %dma_wait3A_56 = tpu.memref_slice %arg4[%add3A_49] : memref<327680xi32, #tpu.memory_space<hbm>> -> memref<128xi32, #tpu.memory_space<hbm>>
        %dma_wait3A_57 = tpu.memref_slice %arg4[%add3A_49] : memref<327680xi32, #tpu.memory_space<hbm>> -> memref<128xi32, #tpu.memory_space<hbm>>
        tpu.wait_dma2 semaphore(%run_scoped3A : memref<!tpu.dma_semaphore, #tpu.memory_space<semaphore_mem>>) src(%dma_wait3A_57 : memref<128xi32, #tpu.memory_space<hbm>>) dst(%arg9 : memref<128xi32, #tpu.memory_space<vmem>>)
        tpu.yield
      }) : () -> ()
      %dma_start3A = arith.constant 0 : i32
      %dma_start3A_50 = arith.constant 0 : i32
      %dma_start3A_51 = tpu.memref_slice %arg2[%dma_start3A, %dma_start3A_50] : memref<10000x128xf32, #tpu.memory_space<hbm>> -> memref<10000x128xf32, #tpu.memory_space<hbm>>
      tpu.enqueue_indirect_dma source(%dma_start3A_51 : memref<10000x128xf32, #tpu.memory_space<hbm>>) target(%arg10 : memref<128x128xf32, #tpu.memory_space<vmem>>) offsets(%arg8 : memref<128xi32, #tpu.memory_space<vmem>>) semaphore(%arg11 : memref<!tpu.dma_semaphore, #tpu.memory_space<semaphore_mem>>)
      %dma_wait3A = arith.constant 0 : i32
      %dma_wait3A_52 = arith.constant 0 : i32
      %dma_wait3A_53 = tpu.memref_slice %arg2[%dma_wait3A, %dma_wait3A_52] : memref<10000x128xf32, #tpu.memory_space<hbm>> -> memref<10000x128xf32, #tpu.memory_space<hbm>>
      tpu.wait_indirect_dma semaphore(%arg11 : memref<!tpu.dma_semaphore, #tpu.memory_space<semaphore_mem>>) src(%dma_wait3A_53 : memref<10000x128xf32, #tpu.memory_space<hbm>>) dst(%arg10 : memref<128x128xf32, #tpu.memory_space<vmem>>)
      "tpu.region"() ({
        %run_scoped3A = tpu.sem_alloc : memref<!tpu.dma_semaphore, #tpu.memory_space<semaphore_mem>>
        %dma_start3A_54 = arith.constant 0 : i32
        %dma_start3A_55 = arith.constant 0 : i32
        %dma_start3A_56 = tpu.memref_slice %arg7[%dma_start3A_54, %dma_start3A_55] : memref<10112x128xf32, #tpu.memory_space<vmem_shared>> -> memref<10112x128xf32, #tpu.memory_space<vmem_shared>>
        tpu.enqueue_indirect_dma source(%arg10 : memref<128x128xf32, #tpu.memory_space<vmem>>) target(%dma_start3A_56 : memref<10112x128xf32, #tpu.memory_space<vmem_shared>>) offsets(%arg9 : memref<128xi32, #tpu.memory_space<vmem>>) semaphore(%run_scoped3A : memref<!tpu.dma_semaphore, #tpu.memory_space<semaphore_mem>>) {add = true}
        %dma_wait3A_57 = arith.constant 0 : i32
        %dma_wait3A_58 = arith.constant 0 : i32
        %dma_wait3A_59 = tpu.memref_slice %arg7[%dma_wait3A_57, %dma_wait3A_58] : memref<10112x128xf32, #tpu.memory_space<vmem_shared>> -> memref<10112x128xf32, #tpu.memory_space<vmem_shared>>
        tpu.wait_indirect_dma semaphore(%run_scoped3A : memref<!tpu.dma_semaphore, #tpu.memory_space<semaphore_mem>>) src(%arg10 : memref<128x128xf32, #tpu.memory_space<vmem>>) dst(%dma_wait3A_59 : memref<10112x128xf32, #tpu.memory_space<vmem_shared>>)
        tpu.yield
      }) : () -> ()
    }
    %scan3A_21 = arith.constant 80 : i32
    %barrier3A_22 = arith.constant 0 : index
    tpu.barrier barrier_id(%barrier3A_22)
    %mul3A_23 = arith.constant 10112 : i32
    %mul3A_24 = arith.muli %arg0, %mul3A_23 : i32
    %add3A_25 = arith.addi %mul3A_24, %mul3A_2 : i32
    %add3A_26 = arith.constant 0 : i32
    %add3A_27 = arith.addi %mul3A_2, %add3A_26 : i32
    "tpu.region"() ({
      %run_scoped3A = tpu.sem_alloc : memref<!tpu.dma_semaphore, #tpu.memory_space<semaphore_mem>>
      %dma_start3A = arith.constant 0 : i32
      %dma_start3A_46 = tpu.memref_slice %arg7[%add3A_27, %dma_start3A] : memref<10112x128xf32, #tpu.memory_space<vmem_shared>> -> memref<128x128xf32, #tpu.memory_space<vmem_shared>>
      %dma_start3A_47 = arith.constant 0 : i32
      %dma_start3A_48 = tpu.memref_slice %arg7[%add3A_27, %dma_start3A_47] : memref<10112x128xf32, #tpu.memory_space<vmem_shared>> -> memref<128x128xf32, #tpu.memory_space<vmem_shared>>
      tpu.enqueue_dma source(%dma_start3A_48 : memref<128x128xf32, #tpu.memory_space<vmem_shared>>) target(%arg10 : memref<128x128xf32, #tpu.memory_space<vmem>>) target_semaphore(%run_scoped3A : memref<!tpu.dma_semaphore, #tpu.memory_space<semaphore_mem>>)
      %dma_wait3A = arith.constant 0 : i32
      %dma_wait3A_49 = tpu.memref_slice %arg7[%add3A_27, %dma_wait3A] : memref<10112x128xf32, #tpu.memory_space<vmem_shared>> -> memref<128x128xf32, #tpu.memory_space<vmem_shared>>
      %dma_wait3A_50 = arith.constant 0 : i32
      %dma_wait3A_51 = tpu.memref_slice %arg7[%add3A_27, %dma_wait3A_50] : memref<10112x128xf32, #tpu.memory_space<vmem_shared>> -> memref<128x128xf32, #tpu.memory_space<vmem_shared>>
      tpu.wait_dma2 semaphore(%run_scoped3A : memref<!tpu.dma_semaphore, #tpu.memory_space<semaphore_mem>>) src(%dma_wait3A_51 : memref<128x128xf32, #tpu.memory_space<vmem_shared>>) dst(%arg10 : memref<128x128xf32, #tpu.memory_space<vmem>>)
      tpu.yield
    }) : () -> ()
    %add3A_28 = arith.constant 0 : i32
    %add3A_29 = arith.addi %add3A_25, %add3A_28 : i32
    "tpu.region"() ({
      %run_scoped3A = tpu.sem_alloc : memref<!tpu.dma_semaphore, #tpu.memory_space<semaphore_mem>>
      %dma_start3A = arith.constant 0 : i32
      %dma_start3A_46 = tpu.memref_slice %arg6[%add3A_29, %dma_start3A] : memref<20224x128xf32, #tpu.memory_space<hbm>> -> memref<128x128xf32, #tpu.memory_space<hbm>>
      %dma_start3A_47 = arith.constant 0 : i32
      %dma_start3A_48 = tpu.memref_slice %arg6[%add3A_29, %dma_start3A_47] : memref<20224x128xf32, #tpu.memory_space<hbm>> -> memref<128x128xf32, #tpu.memory_space<hbm>>
      tpu.enqueue_dma source(%arg10 : memref<128x128xf32, #tpu.memory_space<vmem>>) target(%dma_start3A_48 : memref<128x128xf32, #tpu.memory_space<hbm>>) target_semaphore(%run_scoped3A : memref<!tpu.dma_semaphore, #tpu.memory_space<semaphore_mem>>)
      %dma_wait3A = arith.constant 0 : i32
      %dma_wait3A_49 = tpu.memref_slice %arg6[%add3A_29, %dma_wait3A] : memref<20224x128xf32, #tpu.memory_space<hbm>> -> memref<128x128xf32, #tpu.memory_space<hbm>>
      %dma_wait3A_50 = arith.constant 0 : i32
      %dma_wait3A_51 = tpu.memref_slice %arg6[%add3A_29, %dma_wait3A_50] : memref<20224x128xf32, #tpu.memory_space<hbm>> -> memref<128x128xf32, #tpu.memory_space<hbm>>
      tpu.wait_dma2 semaphore(%run_scoped3A : memref<!tpu.dma_semaphore, #tpu.memory_space<semaphore_mem>>) src(%arg10 : memref<128x128xf32, #tpu.memory_space<vmem>>) dst(%dma_wait3A_51 : memref<128x128xf32, #tpu.memory_space<hbm>>)
      tpu.yield
    }) : () -> ()
    %add3A_30 = arith.constant 128 : i32
    %add3A_31 = arith.addi %mul3A_2, %add3A_30 : i32
    "tpu.region"() ({
      %run_scoped3A = tpu.sem_alloc : memref<!tpu.dma_semaphore, #tpu.memory_space<semaphore_mem>>
      %dma_start3A = arith.constant 0 : i32
      %dma_start3A_46 = tpu.memref_slice %arg7[%add3A_31, %dma_start3A] : memref<10112x128xf32, #tpu.memory_space<vmem_shared>> -> memref<128x128xf32, #tpu.memory_space<vmem_shared>>
      %dma_start3A_47 = arith.constant 0 : i32
      %dma_start3A_48 = tpu.memref_slice %arg7[%add3A_31, %dma_start3A_47] : memref<10112x128xf32, #tpu.memory_space<vmem_shared>> -> memref<128x128xf32, #tpu.memory_space<vmem_shared>>
      tpu.enqueue_dma source(%dma_start3A_48 : memref<128x128xf32, #tpu.memory_space<vmem_shared>>) target(%arg10 : memref<128x128xf32, #tpu.memory_space<vmem>>) target_semaphore(%run_scoped3A : memref<!tpu.dma_semaphore, #tpu.memory_space<semaphore_mem>>)
      %dma_wait3A = arith.constant 0 : i32
      %dma_wait3A_49 = tpu.memref_slice %arg7[%add3A_31, %dma_wait3A] : memref<10112x128xf32, #tpu.memory_space<vmem_shared>> -> memref<128x128xf32, #tpu.memory_space<vmem_shared>>
      %dma_wait3A_50 = arith.constant 0 : i32
      %dma_wait3A_51 = tpu.memref_slice %arg7[%add3A_31, %dma_wait3A_50] : memref<10112x128xf32, #tpu.memory_space<vmem_shared>> -> memref<128x128xf32, #tpu.memory_space<vmem_shared>>
      tpu.wait_dma2 semaphore(%run_scoped3A : memref<!tpu.dma_semaphore, #tpu.memory_space<semaphore_mem>>) src(%dma_wait3A_51 : memref<128x128xf32, #tpu.memory_space<vmem_shared>>) dst(%arg10 : memref<128x128xf32, #tpu.memory_space<vmem>>)
      tpu.yield
    }) : () -> ()
    %add3A_32 = arith.constant 128 : i32
    %add3A_33 = arith.addi %add3A_25, %add3A_32 : i32
    "tpu.region"() ({
      %run_scoped3A = tpu.sem_alloc : memref<!tpu.dma_semaphore, #tpu.memory_space<semaphore_mem>>
      %dma_start3A = arith.constant 0 : i32
      %dma_start3A_46 = tpu.memref_slice %arg6[%add3A_33, %dma_start3A] : memref<20224x128xf32, #tpu.memory_space<hbm>> -> memref<128x128xf32, #tpu.memory_space<hbm>>
      %dma_start3A_47 = arith.constant 0 : i32
      %dma_start3A_48 = tpu.memref_slice %arg6[%add3A_33, %dma_start3A_47] : memref<20224x128xf32, #tpu.memory_space<hbm>> -> memref<128x128xf32, #tpu.memory_space<hbm>>
      tpu.enqueue_dma source(%arg10 : memref<128x128xf32, #tpu.memory_space<vmem>>) target(%dma_start3A_48 : memref<128x128xf32, #tpu.memory_space<hbm>>) target_semaphore(%run_scoped3A : memref<!tpu.dma_semaphore, #tpu.memory_space<semaphore_mem>>)
      %dma_wait3A = arith.constant 0 : i32
      %dma_wait3A_49 = tpu.memref_slice %arg6[%add3A_33, %dma_wait3A] : memref<20224x128xf32, #tpu.memory_space<hbm>> -> memref<128x128xf32, #tpu.memory_space<hbm>>
      %dma_wait3A_50 = arith.constant 0 : i32
      %dma_wait3A_51 = tpu.memref_slice %arg6[%add3A_33, %dma_wait3A_50] : memref<20224x128xf32, #tpu.memory_space<hbm>> -> memref<128x128xf32, #tpu.memory_space<hbm>>
      tpu.wait_dma2 semaphore(%run_scoped3A : memref<!tpu.dma_semaphore, #tpu.memory_space<semaphore_mem>>) src(%arg10 : memref<128x128xf32, #tpu.memory_space<vmem>>) dst(%dma_wait3A_51 : memref<128x128xf32, #tpu.memory_space<hbm>>)
      tpu.yield
    }) : () -> ()
    %add3A_34 = arith.constant 256 : i32
    %add3A_35 = arith.addi %mul3A_2, %add3A_34 : i32
    "tpu.region"() ({
      %run_scoped3A = tpu.sem_alloc : memref<!tpu.dma_semaphore, #tpu.memory_space<semaphore_mem>>
      %dma_start3A = arith.constant 0 : i32
      %dma_start3A_46 = tpu.memref_slice %arg7[%add3A_35, %dma_start3A] : memref<10112x128xf32, #tpu.memory_space<vmem_shared>> -> memref<128x128xf32, #tpu.memory_space<vmem_shared>>
      %dma_start3A_47 = arith.constant 0 : i32
      %dma_start3A_48 = tpu.memref_slice %arg7[%add3A_35, %dma_start3A_47] : memref<10112x128xf32, #tpu.memory_space<vmem_shared>> -> memref<128x128xf32, #tpu.memory_space<vmem_shared>>
      tpu.enqueue_dma source(%dma_start3A_48 : memref<128x128xf32, #tpu.memory_space<vmem_shared>>) target(%arg10 : memref<128x128xf32, #tpu.memory_space<vmem>>) target_semaphore(%run_scoped3A : memref<!tpu.dma_semaphore, #tpu.memory_space<semaphore_mem>>)
      %dma_wait3A = arith.constant 0 : i32
      %dma_wait3A_49 = tpu.memref_slice %arg7[%add3A_35, %dma_wait3A] : memref<10112x128xf32, #tpu.memory_space<vmem_shared>> -> memref<128x128xf32, #tpu.memory_space<vmem_shared>>
      %dma_wait3A_50 = arith.constant 0 : i32
      %dma_wait3A_51 = tpu.memref_slice %arg7[%add3A_35, %dma_wait3A_50] : memref<10112x128xf32, #tpu.memory_space<vmem_shared>> -> memref<128x128xf32, #tpu.memory_space<vmem_shared>>
      tpu.wait_dma2 semaphore(%run_scoped3A : memref<!tpu.dma_semaphore, #tpu.memory_space<semaphore_mem>>) src(%dma_wait3A_51 : memref<128x128xf32, #tpu.memory_space<vmem_shared>>) dst(%arg10 : memref<128x128xf32, #tpu.memory_space<vmem>>)
      tpu.yield
    }) : () -> ()
    %add3A_36 = arith.constant 256 : i32
    %add3A_37 = arith.addi %add3A_25, %add3A_36 : i32
    "tpu.region"() ({
      %run_scoped3A = tpu.sem_alloc : memref<!tpu.dma_semaphore, #tpu.memory_space<semaphore_mem>>
      %dma_start3A = arith.constant 0 : i32
      %dma_start3A_46 = tpu.memref_slice %arg6[%add3A_37, %dma_start3A] : memref<20224x128xf32, #tpu.memory_space<hbm>> -> memref<128x128xf32, #tpu.memory_space<hbm>>
      %dma_start3A_47 = arith.constant 0 : i32
      %dma_start3A_48 = tpu.memref_slice %arg6[%add3A_37, %dma_start3A_47] : memref<20224x128xf32, #tpu.memory_space<hbm>> -> memref<128x128xf32, #tpu.memory_space<hbm>>
      tpu.enqueue_dma source(%arg10 : memref<128x128xf32, #tpu.memory_space<vmem>>) target(%dma_start3A_48 : memref<128x128xf32, #tpu.memory_space<hbm>>) target_semaphore(%run_scoped3A : memref<!tpu.dma_semaphore, #tpu.memory_space<semaphore_mem>>)
      %dma_wait3A = arith.constant 0 : i32
      %dma_wait3A_49 = tpu.memref_slice %arg6[%add3A_37, %dma_wait3A] : memref<20224x128xf32, #tpu.memory_space<hbm>> -> memref<128x128xf32, #tpu.memory_space<hbm>>
      %dma_wait3A_50 = arith.constant 0 : i32
      %dma_wait3A_51 = tpu.memref_slice %arg6[%add3A_37, %dma_wait3A_50] : memref<20224x128xf32, #tpu.memory_space<hbm>> -> memref<128x128xf32, #tpu.memory_space<hbm>>
      tpu.wait_dma2 semaphore(%run_scoped3A : memref<!tpu.dma_semaphore, #tpu.memory_space<semaphore_mem>>) src(%arg10 : memref<128x128xf32, #tpu.memory_space<vmem>>) dst(%dma_wait3A_51 : memref<128x128xf32, #tpu.memory_space<hbm>>)
      tpu.yield
    }) : () -> ()
    %add3A_38 = arith.constant 384 : i32
    %add3A_39 = arith.addi %mul3A_2, %add3A_38 : i32
    "tpu.region"() ({
      %run_scoped3A = tpu.sem_alloc : memref<!tpu.dma_semaphore, #tpu.memory_space<semaphore_mem>>
      %dma_start3A = arith.constant 0 : i32
      %dma_start3A_46 = tpu.memref_slice %arg7[%add3A_39, %dma_start3A] : memref<10112x128xf32, #tpu.memory_space<vmem_shared>> -> memref<128x128xf32, #tpu.memory_space<vmem_shared>>
      %dma_start3A_47 = arith.constant 0 : i32
      %dma_start3A_48 = tpu.memref_slice %arg7[%add3A_39, %dma_start3A_47] : memref<10112x128xf32, #tpu.memory_space<vmem_shared>> -> memref<128x128xf32, #tpu.memory_space<vmem_shared>>
      tpu.enqueue_dma source(%dma_start3A_48 : memref<128x128xf32, #tpu.memory_space<vmem_shared>>) target(%arg10 : memref<128x128xf32, #tpu.memory_space<vmem>>) target_semaphore(%run_scoped3A : memref<!tpu.dma_semaphore, #tpu.memory_space<semaphore_mem>>)
      %dma_wait3A = arith.constant 0 : i32
      %dma_wait3A_49 = tpu.memref_slice %arg7[%add3A_39, %dma_wait3A] : memref<10112x128xf32, #tpu.memory_space<vmem_shared>> -> memref<128x128xf32, #tpu.memory_space<vmem_shared>>
      %dma_wait3A_50 = arith.constant 0 : i32
      %dma_wait3A_51 = tpu.memref_slice %arg7[%add3A_39, %dma_wait3A_50] : memref<10112x128xf32, #tpu.memory_space<vmem_shared>> -> memref<128x128xf32, #tpu.memory_space<vmem_shared>>
      tpu.wait_dma2 semaphore(%run_scoped3A : memref<!tpu.dma_semaphore, #tpu.memory_space<semaphore_mem>>) src(%dma_wait3A_51 : memref<128x128xf32, #tpu.memory_space<vmem_shared>>) dst(%arg10 : memref<128x128xf32, #tpu.memory_space<vmem>>)
      tpu.yield
    }) : () -> ()
    %add3A_40 = arith.constant 384 : i32
    %add3A_41 = arith.addi %add3A_25, %add3A_40 : i32
    "tpu.region"() ({
      %run_scoped3A = tpu.sem_alloc : memref<!tpu.dma_semaphore, #tpu.memory_space<semaphore_mem>>
      %dma_start3A = arith.constant 0 : i32
      %dma_start3A_46 = tpu.memref_slice %arg6[%add3A_41, %dma_start3A] : memref<20224x128xf32, #tpu.memory_space<hbm>> -> memref<128x128xf32, #tpu.memory_space<hbm>>
      %dma_start3A_47 = arith.constant 0 : i32
      %dma_start3A_48 = tpu.memref_slice %arg6[%add3A_41, %dma_start3A_47] : memref<20224x128xf32, #tpu.memory_space<hbm>> -> memref<128x128xf32, #tpu.memory_space<hbm>>
      tpu.enqueue_dma source(%arg10 : memref<128x128xf32, #tpu.memory_space<vmem>>) target(%dma_start3A_48 : memref<128x128xf32, #tpu.memory_space<hbm>>) target_semaphore(%run_scoped3A : memref<!tpu.dma_semaphore, #tpu.memory_space<semaphore_mem>>)
      %dma_wait3A = arith.constant 0 : i32
      %dma_wait3A_49 = tpu.memref_slice %arg6[%add3A_41, %dma_wait3A] : memref<20224x128xf32, #tpu.memory_space<hbm>> -> memref<128x128xf32, #tpu.memory_space<hbm>>
      %dma_wait3A_50 = arith.constant 0 : i32
      %dma_wait3A_51 = tpu.memref_slice %arg6[%add3A_41, %dma_wait3A_50] : memref<20224x128xf32, #tpu.memory_space<hbm>> -> memref<128x128xf32, #tpu.memory_space<hbm>>
      tpu.wait_dma2 semaphore(%run_scoped3A : memref<!tpu.dma_semaphore, #tpu.memory_space<semaphore_mem>>) src(%arg10 : memref<128x128xf32, #tpu.memory_space<vmem>>) dst(%dma_wait3A_51 : memref<128x128xf32, #tpu.memory_space<hbm>>)
      tpu.yield
    }) : () -> ()
    %add3A_42 = arith.constant 504 : i32
    %add3A_43 = arith.addi %mul3A_2, %add3A_42 : i32
    "tpu.region"() ({
      %run_scoped3A = tpu.sem_alloc : memref<!tpu.dma_semaphore, #tpu.memory_space<semaphore_mem>>
      %dma_start3A = arith.constant 0 : i32
      %dma_start3A_46 = tpu.memref_slice %arg7[%add3A_43, %dma_start3A] : memref<10112x128xf32, #tpu.memory_space<vmem_shared>> -> memref<128x128xf32, #tpu.memory_space<vmem_shared>>
      %dma_start3A_47 = arith.constant 0 : i32
      %dma_start3A_48 = tpu.memref_slice %arg7[%add3A_43, %dma_start3A_47] : memref<10112x128xf32, #tpu.memory_space<vmem_shared>> -> memref<128x128xf32, #tpu.memory_space<vmem_shared>>
      tpu.enqueue_dma source(%dma_start3A_48 : memref<128x128xf32, #tpu.memory_space<vmem_shared>>) target(%arg10 : memref<128x128xf32, #tpu.memory_space<vmem>>) target_semaphore(%run_scoped3A : memref<!tpu.dma_semaphore, #tpu.memory_space<semaphore_mem>>)
      %dma_wait3A = arith.constant 0 : i32
      %dma_wait3A_49 = tpu.memref_slice %arg7[%add3A_43, %dma_wait3A] : memref<10112x128xf32, #tpu.memory_space<vmem_shared>> -> memref<128x128xf32, #tpu.memory_space<vmem_shared>>
      %dma_wait3A_50 = arith.constant 0 : i32
      %dma_wait3A_51 = tpu.memref_slice %arg7[%add3A_43, %dma_wait3A_50] : memref<10112x128xf32, #tpu.memory_space<vmem_shared>> -> memref<128x128xf32, #tpu.memory_space<vmem_shared>>
      tpu.wait_dma2 semaphore(%run_scoped3A : memref<!tpu.dma_semaphore, #tpu.memory_space<semaphore_mem>>) src(%dma_wait3A_51 : memref<128x128xf32, #tpu.memory_space<vmem_shared>>) dst(%arg10 : memref<128x128xf32, #tpu.memory_space<vmem>>)
      tpu.yield
    }) : () -> ()
    %add3A_44 = arith.constant 504 : i32
    %add3A_45 = arith.addi %add3A_25, %add3A_44 : i32
    "tpu.region"() ({
      %run_scoped3A = tpu.sem_alloc : memref<!tpu.dma_semaphore, #tpu.memory_space<semaphore_mem>>
      %dma_start3A = arith.constant 0 : i32
      %dma_start3A_46 = tpu.memref_slice %arg6[%add3A_45, %dma_start3A] : memref<20224x128xf32, #tpu.memory_space<hbm>> -> memref<128x128xf32, #tpu.memory_space<hbm>>
      %dma_start3A_47 = arith.constant 0 : i32
      %dma_start3A_48 = tpu.memref_slice %arg6[%add3A_45, %dma_start3A_47] : memref<20224x128xf32, #tpu.memory_space<hbm>> -> memref<128x128xf32, #tpu.memory_space<hbm>>
      tpu.enqueue_dma source(%arg10 : memref<128x128xf32, #tpu.memory_space<vmem>>) target(%dma_start3A_48 : memref<128x128xf32, #tpu.memory_space<hbm>>) target_semaphore(%run_scoped3A : memref<!tpu.dma_semaphore, #tpu.memory_space<semaphore_mem>>)
      %dma_wait3A = arith.constant 0 : i32
      %dma_wait3A_49 = tpu.memref_slice %arg6[%add3A_45, %dma_wait3A] : memref<20224x128xf32, #tpu.memory_space<hbm>> -> memref<128x128xf32, #tpu.memory_space<hbm>>
      %dma_wait3A_50 = arith.constant 0 : i32
      %dma_wait3A_51 = tpu.memref_slice %arg6[%add3A_45, %dma_wait3A_50] : memref<20224x128xf32, #tpu.memory_space<hbm>> -> memref<128x128xf32, #tpu.memory_space<hbm>>
      tpu.wait_dma2 semaphore(%run_scoped3A : memref<!tpu.dma_semaphore, #tpu.memory_space<semaphore_mem>>) src(%arg10 : memref<128x128xf32, #tpu.memory_space<vmem>>) dst(%dma_wait3A_51 : memref<128x128xf32, #tpu.memory_space<hbm>>)
      tpu.yield
    }) : () -> ()
    return
  }
}

module attributes {stable_mosaic.version = 14 : i64} {
  func.func @_tc_in_body(%arg0: i32, %arg1: memref<2000x128xf32, #tpu.memory_space<vmem>>, %arg2: memref<128x128xf32, #tpu.memory_space<vmem>>, %arg3: memref<128x128xf32, #tpu.memory_space<vmem>>, %arg4: memref<1x128xf32, #tpu.memory_space<vmem>>, %arg5: memref<2000x128xf32, #tpu.memory_space<vmem>>, %arg6: memref<2000x128xf32, #tpu.memory_space<vmem>>) attributes {dimension_semantics = [#tpu.dimension_semantics<arbitrary>], iteration_bounds = array<i64: 5>, scalar_prefetch = 0 : i64, scratch_operands = 0 : i64, tpu.core_type = #tpu.core_type<tc>, window_params = [{transform_indices = @transform_0, window_bounds = array<i64: 2000, 128>}, {pipeline_mode = #tpu.pipeline_mode<synchronous>, transform_indices = @transform_1, window_bounds = array<i64: 128, 128>}, {pipeline_mode = #tpu.pipeline_mode<synchronous>, transform_indices = @transform_2, window_bounds = array<i64: 128, 128>}, {pipeline_mode = #tpu.pipeline_mode<synchronous>, transform_indices = @transform_3, window_bounds = array<i64: 1, 128>}, {transform_indices = @transform_4, window_bounds = array<i64: 2000, 128>}, {transform_indices = @transform_5, window_bounds = array<i64: 2000, 128>}]} {
    %get3A = arith.constant 0 : index
    %get3A_0 = arith.constant 0 : index
    %get3A_1 = vector.load %arg1[%get3A, %get3A_0] : memref<2000x128xf32, #tpu.memory_space<vmem>>, vector<2000x128xf32>
    %get3A_2 = arith.constant 0 : index
    %get3A_3 = arith.constant 0 : index
    %get3A_4 = vector.load %arg2[%get3A_2, %get3A_3] : memref<128x128xf32, #tpu.memory_space<vmem>>, vector<128x128xf32>
    %dot_general3A = arith.constant dense<0.000000e+00> : vector<2000x128xf32>
    %dot_general3A_5 = tpu.matmul %get3A_1, %get3A_4, %dot_general3A {dimension_numbers = #tpu.dot_dimension_numbers<[1], [0], [0], [1], [0, 0, 1, 1], [], []>, transpose_lhs_hint = false} : vector<2000x128xf32>, vector<128x128xf32>, vector<2000x128xf32> -> vector<2000x128xf32>
    %get3A_6 = arith.constant 0 : index
    %get3A_7 = arith.constant 0 : index
    %get3A_8 = vector.load %arg4[%get3A_6, %get3A_7] : memref<1x128xf32, #tpu.memory_space<vmem>>, vector<1x128xf32>
    %add3A = vector.broadcast %get3A_8 : vector<1x128xf32> to vector<2000x128xf32>
    %add3A_9 = arith.addf %dot_general3A_5, %add3A : vector<2000x128xf32>
    %swap3A = arith.constant 0 : index
    %swap3A_10 = arith.constant 0 : index
    %swap3A_11 = vector.load %arg5[%swap3A, %swap3A_10] : memref<2000x128xf32, #tpu.memory_space<vmem>>, vector<2000x128xf32>
    tpu.vector_store %arg5[%swap3A, %swap3A_10], %add3A_9 {strides = array<i32>} : memref<2000x128xf32, #tpu.memory_space<vmem>>, vector<2000x128xf32>,
    %get3A_12 = arith.constant 0 : index
    %get3A_13 = arith.constant 0 : index
    %get3A_14 = vector.load %arg3[%get3A_12, %get3A_13] : memref<128x128xf32, #tpu.memory_space<vmem>>, vector<128x128xf32>
    %dot_general3A_15 = arith.constant dense<0.000000e+00> : vector<2000x128xf32>
    %dot_general3A_16 = tpu.matmul %get3A_1, %get3A_14, %dot_general3A_15 {dimension_numbers = #tpu.dot_dimension_numbers<[1], [0], [0], [1], [0, 0, 1, 1], [], []>, transpose_lhs_hint = false} : vector<2000x128xf32>, vector<128x128xf32>, vector<2000x128xf32> -> vector<2000x128xf32>
    %swap3A_17 = arith.constant 0 : index
    %swap3A_18 = arith.constant 0 : index
    %swap3A_19 = vector.load %arg6[%swap3A_17, %swap3A_18] : memref<2000x128xf32, #tpu.memory_space<vmem>>, vector<2000x128xf32>
    tpu.vector_store %arg6[%swap3A_17, %swap3A_18], %dot_general3A_16 {strides = array<i32>} : memref<2000x128xf32, #tpu.memory_space<vmem>>, vector<2000x128xf32>,
    return
  }
  func.func @transform_0(%arg0: i32) -> (i32, i32) {
    %c0_i32 = arith.constant 0 : i32
    %c0_i32_0 = arith.constant 0 : i32
    return %arg0, %c0_i32 : i32, i32
  }
  func.func @transform_1(%arg0: i32) -> (i32, i32) {
    %c0_i32 = arith.constant 0 : i32
    %c0_i32_0 = arith.constant 0 : i32
    %c0_i32_1 = arith.constant 0 : i32
    return %c0_i32, %c0_i32_0 : i32, i32
  }
  func.func @transform_2(%arg0: i32) -> (i32, i32) {
    %c0_i32 = arith.constant 0 : i32
    %c0_i32_0 = arith.constant 0 : i32
    %c0_i32_1 = arith.constant 0 : i32
    return %c0_i32, %c0_i32_0 : i32, i32
  }
  func.func @transform_3(%arg0: i32) -> (i32, i32) {
    %c0_i32 = arith.constant 0 : i32
    %c0_i32_0 = arith.constant 0 : i32
    %c0_i32_1 = arith.constant 0 : i32
    return %c0_i32, %c0_i32_0 : i32, i32
  }
  func.func @transform_4(%arg0: i32) -> (i32, i32) {
    %c0_i32 = arith.constant 0 : i32
    %c0_i32_0 = arith.constant 0 : i32
    return %arg0, %c0_i32 : i32, i32
  }
  func.func @transform_5(%arg0: i32) -> (i32, i32) {
    %c0_i32 = arith.constant 0 : i32
    %c0_i32_0 = arith.constant 0 : i32
    return %arg0, %c0_i32 : i32, i32
  }
}

module attributes {stable_mosaic.version = 14 : i64} {
  func.func @_tc_mid_body(%arg0: i32, %arg1: memref<2000x128xf32, #tpu.memory_space<vmem>>, %arg2: memref<2x2000x128xf32, #tpu.memory_space<vmem>>, %arg3: memref<2000x1xf32, #tpu.memory_space<vmem>>, %arg4: memref<2000x1xf32, #tpu.memory_space<vmem>>, %arg5: memref<128x128xf32, #tpu.memory_space<vmem>>, %arg6: memref<128x128xf32, #tpu.memory_space<vmem>>, %arg7: memref<1x128xf32, #tpu.memory_space<vmem>>, %arg8: memref<2000x128xf32, #tpu.memory_space<vmem>>, %arg9: memref<2000x128xf32, #tpu.memory_space<vmem>>) attributes {dimension_semantics = [#tpu.dimension_semantics<arbitrary>], iteration_bounds = array<i64: 5>, scalar_prefetch = 0 : i64, scratch_operands = 0 : i64, tpu.core_type = #tpu.core_type<tc>, window_params = [{transform_indices = @transform_0, window_bounds = array<i64: 2000, 128>}, {transform_indices = @transform_1, window_bounds = array<i64: 2, 2000, 128>}, {transform_indices = @transform_2, window_bounds = array<i64: 2000, 1>}, {transform_indices = @transform_3, window_bounds = array<i64: 2000, 1>}, {pipeline_mode = #tpu.pipeline_mode<synchronous>, transform_indices = @transform_4, window_bounds = array<i64: 128, 128>}, {pipeline_mode = #tpu.pipeline_mode<synchronous>, transform_indices = @transform_5, window_bounds = array<i64: 128, 128>}, {pipeline_mode = #tpu.pipeline_mode<synchronous>, transform_indices = @transform_6, window_bounds = array<i64: 1, 128>}, {transform_indices = @transform_7, window_bounds = array<i64: 2000, 128>}, {transform_indices = @transform_8, window_bounds = array<i64: 2000, 128>}]} {
    %get3A = arith.constant 0 : index
    %get3A_0 = arith.constant 0 : index
    %get3A_1 = arith.constant 0 : index
    %get3A_2 = vector.load %arg2[%get3A, %get3A_0, %get3A_1] : memref<2x2000x128xf32, #tpu.memory_space<vmem>>, vector<1x2000x128xf32>
    %get3A_3 = vector.shape_cast %get3A_2 : vector<1x2000x128xf32> to vector<2000x128xf32>
    %get3A_4 = arith.constant 1 : index
    %get3A_5 = arith.constant 0 : index
    %get3A_6 = arith.constant 0 : index
    %get3A_7 = vector.load %arg2[%get3A_4, %get3A_5, %get3A_6] : memref<2x2000x128xf32, #tpu.memory_space<vmem>>, vector<1x2000x128xf32>
    %get3A_8 = vector.shape_cast %get3A_7 : vector<1x2000x128xf32> to vector<2000x128xf32>
    %add3A = arith.addf %get3A_3, %get3A_8 : vector<2000x128xf32>
    %get3A_9 = arith.constant 0 : index
    %get3A_10 = arith.constant 0 : index
    %get3A_11 = vector.load %arg3[%get3A_9, %get3A_10] : memref<2000x1xf32, #tpu.memory_space<vmem>>, vector<2000x1xf32>
    %get3A_12 = arith.constant 0 : index
    %get3A_13 = arith.constant 0 : index
    %get3A_14 = vector.load %arg4[%get3A_12, %get3A_13] : memref<2000x1xf32, #tpu.memory_space<vmem>>, vector<2000x1xf32>
    %add3A_15 = arith.addf %get3A_11, %get3A_14 : vector<2000x1xf32>
    %max3A = arith.constant 1.000000e+00 : f32
    %max3A_16 = vector.broadcast %max3A : f32 to vector<2000x1xf32>
    %max3A_17 = arith.maximumf %add3A_15, %max3A_16 : vector<2000x1xf32>
    %get3A_18 = arith.constant 0 : index
    %get3A_19 = arith.constant 0 : index
    %get3A_20 = vector.load %arg1[%get3A_18, %get3A_19] : memref<2000x128xf32, #tpu.memory_space<vmem>>, vector<2000x128xf32>
    %div3A = vector.broadcast %max3A_17 : vector<2000x1xf32> to vector<2000x128xf32>
    %div3A_21 = arith.divf %add3A, %div3A : vector<2000x128xf32>
    %add3A_22 = arith.addf %get3A_20, %div3A_21 : vector<2000x128xf32>
    %max3A_23 = arith.constant 0.000000e+00 : f32
    %max3A_24 = vector.broadcast %max3A_23 : f32 to vector<2000x128xf32>
    %max3A_25 = arith.maximumf %add3A_22, %max3A_24 : vector<2000x128xf32>
    %get3A_26 = arith.constant 0 : index
    %get3A_27 = arith.constant 0 : index
    %get3A_28 = vector.load %arg5[%get3A_26, %get3A_27] : memref<128x128xf32, #tpu.memory_space<vmem>>, vector<128x128xf32>
    %dot_general3A = arith.constant dense<0.000000e+00> : vector<2000x128xf32>
    %dot_general3A_29 = tpu.matmul %max3A_25, %get3A_28, %dot_general3A {dimension_numbers = #tpu.dot_dimension_numbers<[1], [0], [0], [1], [0, 0, 1, 1], [], []>, transpose_lhs_hint = false} : vector<2000x128xf32>, vector<128x128xf32>, vector<2000x128xf32> -> vector<2000x128xf32>
    %get3A_30 = arith.constant 0 : index
    %get3A_31 = arith.constant 0 : index
    %get3A_32 = vector.load %arg7[%get3A_30, %get3A_31] : memref<1x128xf32, #tpu.memory_space<vmem>>, vector<1x128xf32>
    %add3A_33 = vector.broadcast %get3A_32 : vector<1x128xf32> to vector<2000x128xf32>
    %add3A_34 = arith.addf %dot_general3A_29, %add3A_33 : vector<2000x128xf32>
    %swap3A = arith.constant 0 : index
    %swap3A_35 = arith.constant 0 : index
    %swap3A_36 = vector.load %arg8[%swap3A, %swap3A_35] : memref<2000x128xf32, #tpu.memory_space<vmem>>, vector<2000x128xf32>
    tpu.vector_store %arg8[%swap3A, %swap3A_35], %add3A_34 {strides = array<i32>} : memref<2000x128xf32, #tpu.memory_space<vmem>>, vector<2000x128xf32>,
    %get3A_37 = arith.constant 0 : index
    %get3A_38 = arith.constant 0 : index
    %get3A_39 = vector.load %arg6[%get3A_37, %get3A_38] : memref<128x128xf32, #tpu.memory_space<vmem>>, vector<128x128xf32>
    %dot_general3A_40 = arith.constant dense<0.000000e+00> : vector<2000x128xf32>
    %dot_general3A_41 = tpu.matmul %max3A_25, %get3A_39, %dot_general3A_40 {dimension_numbers = #tpu.dot_dimension_numbers<[1], [0], [0], [1], [0, 0, 1, 1], [], []>, transpose_lhs_hint = false} : vector<2000x128xf32>, vector<128x128xf32>, vector<2000x128xf32> -> vector<2000x128xf32>
    %swap3A_42 = arith.constant 0 : index
    %swap3A_43 = arith.constant 0 : index
    %swap3A_44 = vector.load %arg9[%swap3A_42, %swap3A_43] : memref<2000x128xf32, #tpu.memory_space<vmem>>, vector<2000x128xf32>
    tpu.vector_store %arg9[%swap3A_42, %swap3A_43], %dot_general3A_41 {strides = array<i32>} : memref<2000x128xf32, #tpu.memory_space<vmem>>, vector<2000x128xf32>,
    return
  }
  func.func @transform_0(%arg0: i32) -> (i32, i32) {
    %c0_i32 = arith.constant 0 : i32
    %c0_i32_0 = arith.constant 0 : i32
    return %arg0, %c0_i32 : i32, i32
  }
  func.func @transform_1(%arg0: i32) -> (i32, i32, i32) {
    %c0_i32 = arith.constant 0 : i32
    %c0_i32_0 = arith.constant 0 : i32
    %c0_i32_1 = arith.constant 0 : i32
    return %c0_i32, %arg0, %c0_i32_0 : i32, i32, i32
  }
  func.func @transform_2(%arg0: i32) -> (i32, i32) {
    %c0_i32 = arith.constant 0 : i32
    %c0_i32_0 = arith.constant 0 : i32
    return %arg0, %c0_i32 : i32, i32
  }
  func.func @transform_3(%arg0: i32) -> (i32, i32) {
    %c0_i32 = arith.constant 0 : i32
    %c0_i32_0 = arith.constant 0 : i32
    return %arg0, %c0_i32 : i32, i32
  }
  func.func @transform_4(%arg0: i32) -> (i32, i32) {
    %c0_i32 = arith.constant 0 : i32
    %c0_i32_0 = arith.constant 0 : i32
    %c0_i32_1 = arith.constant 0 : i32
    return %c0_i32, %c0_i32_0 : i32, i32
  }
  func.func @transform_5(%arg0: i32) -> (i32, i32) {
    %c0_i32 = arith.constant 0 : i32
    %c0_i32_0 = arith.constant 0 : i32
    %c0_i32_1 = arith.constant 0 : i32
    return %c0_i32, %c0_i32_0 : i32, i32
  }
  func.func @transform_6(%arg0: i32) -> (i32, i32) {
    %c0_i32 = arith.constant 0 : i32
    %c0_i32_0 = arith.constant 0 : i32
    %c0_i32_1 = arith.constant 0 : i32
    return %c0_i32, %c0_i32_0 : i32, i32
  }
  func.func @transform_7(%arg0: i32) -> (i32, i32) {
    %c0_i32 = arith.constant 0 : i32
    %c0_i32_0 = arith.constant 0 : i32
    return %arg0, %c0_i32 : i32, i32
  }
  func.func @transform_8(%arg0: i32) -> (i32, i32) {
    %c0_i32 = arith.constant 0 : i32
    %c0_i32_0 = arith.constant 0 : i32
    return %arg0, %c0_i32 : i32, i32
  }
}

module attributes {stable_mosaic.version = 14 : i64} {
  func.func @_tc_out_body(%arg0: i32, %arg1: memref<2000x128xf32, #tpu.memory_space<vmem>>, %arg2: memref<2x2000x128xf32, #tpu.memory_space<vmem>>, %arg3: memref<2000x1xf32, #tpu.memory_space<vmem>>, %arg4: memref<2000x1xf32, #tpu.memory_space<vmem>>, %arg5: memref<2000x128xf32, #tpu.memory_space<vmem>>) attributes {dimension_semantics = [#tpu.dimension_semantics<arbitrary>], iteration_bounds = array<i64: 5>, scalar_prefetch = 0 : i64, scratch_operands = 0 : i64, tpu.core_type = #tpu.core_type<tc>, window_params = [{transform_indices = @transform_0, window_bounds = array<i64: 2000, 128>}, {transform_indices = @transform_1, window_bounds = array<i64: 2, 2000, 128>}, {transform_indices = @transform_2, window_bounds = array<i64: 2000, 1>}, {transform_indices = @transform_3, window_bounds = array<i64: 2000, 1>}, {transform_indices = @transform_4, window_bounds = array<i64: 2000, 128>}]} {
    %get3A = arith.constant 0 : index
    %get3A_0 = arith.constant 0 : index
    %get3A_1 = arith.constant 0 : index
    %get3A_2 = vector.load %arg2[%get3A, %get3A_0, %get3A_1] : memref<2x2000x128xf32, #tpu.memory_space<vmem>>, vector<1x2000x128xf32>
    %get3A_3 = vector.shape_cast %get3A_2 : vector<1x2000x128xf32> to vector<2000x128xf32>
    %get3A_4 = arith.constant 1 : index
    %get3A_5 = arith.constant 0 : index
    %get3A_6 = arith.constant 0 : index
    %get3A_7 = vector.load %arg2[%get3A_4, %get3A_5, %get3A_6] : memref<2x2000x128xf32, #tpu.memory_space<vmem>>, vector<1x2000x128xf32>
    %get3A_8 = vector.shape_cast %get3A_7 : vector<1x2000x128xf32> to vector<2000x128xf32>
    %add3A = arith.addf %get3A_3, %get3A_8 : vector<2000x128xf32>
    %get3A_9 = arith.constant 0 : index
    %get3A_10 = arith.constant 0 : index
    %get3A_11 = vector.load %arg3[%get3A_9, %get3A_10] : memref<2000x1xf32, #tpu.memory_space<vmem>>, vector<2000x1xf32>
    %get3A_12 = arith.constant 0 : index
    %get3A_13 = arith.constant 0 : index
    %get3A_14 = vector.load %arg4[%get3A_12, %get3A_13] : memref<2000x1xf32, #tpu.memory_space<vmem>>, vector<2000x1xf32>
    %add3A_15 = arith.addf %get3A_11, %get3A_14 : vector<2000x1xf32>
    %max3A = arith.constant 1.000000e+00 : f32
    %max3A_16 = vector.broadcast %max3A : f32 to vector<2000x1xf32>
    %max3A_17 = arith.maximumf %add3A_15, %max3A_16 : vector<2000x1xf32>
    %get3A_18 = arith.constant 0 : index
    %get3A_19 = arith.constant 0 : index
    %get3A_20 = vector.load %arg1[%get3A_18, %get3A_19] : memref<2000x128xf32, #tpu.memory_space<vmem>>, vector<2000x128xf32>
    %div3A = vector.broadcast %max3A_17 : vector<2000x1xf32> to vector<2000x128xf32>
    %div3A_21 = arith.divf %add3A, %div3A : vector<2000x128xf32>
    %add3A_22 = arith.addf %get3A_20, %div3A_21 : vector<2000x128xf32>
    %swap3A = arith.constant 0 : index
    %swap3A_23 = arith.constant 0 : index
    %swap3A_24 = vector.load %arg5[%swap3A, %swap3A_23] : memref<2000x128xf32, #tpu.memory_space<vmem>>, vector<2000x128xf32>
    tpu.vector_store %arg5[%swap3A, %swap3A_23], %add3A_22 {strides = array<i32>} : memref<2000x128xf32, #tpu.memory_space<vmem>>, vector<2000x128xf32>,
    return
  }
  func.func @transform_0(%arg0: i32) -> (i32, i32) {
    %c0_i32 = arith.constant 0 : i32
    %c0_i32_0 = arith.constant 0 : i32
    return %arg0, %c0_i32 : i32, i32
  }
  func.func @transform_1(%arg0: i32) -> (i32, i32, i32) {
    %c0_i32 = arith.constant 0 : i32
    %c0_i32_0 = arith.constant 0 : i32
    %c0_i32_1 = arith.constant 0 : i32
    return %c0_i32, %arg0, %c0_i32_0 : i32, i32, i32
  }
  func.func @transform_2(%arg0: i32) -> (i32, i32) {
    %c0_i32 = arith.constant 0 : i32
    %c0_i32_0 = arith.constant 0 : i32
    return %arg0, %c0_i32 : i32, i32
  }
  func.func @transform_3(%arg0: i32) -> (i32, i32) {
    %c0_i32 = arith.constant 0 : i32
    %c0_i32_0 = arith.constant 0 : i32
    return %arg0, %c0_i32 : i32, i32
  }
  func.func @transform_4(%arg0: i32) -> (i32, i32) {
    %c0_i32 = arith.constant 0 : i32
    %c0_i32_0 = arith.constant 0 : i32
    return %arg0, %c0_i32 : i32, i32
  }
}

</mosaic_0001>

<sc_bundles>
// kernel: kernel.10.cloned.1.call-start
scs
__scs_entry_jumppad:
0x0: {  	(pc) =	sbr.rel $0x88, $3  }
0x1: {  	(tag) =	ssettag $0x0;
	lr =	simm.s32 $0x1  }
0x2: {  	[smem:$0x3F99] =	sst lr;
	_ =	strace $0xD0000000  }
0x3: {  	_ = 	snop  }
0x4: {  	_ = 	snop  }
0x5: {  	_ = 	snop  }
0x6: {  	_ = 	snop  }
0x7: {  	_ = 	snop  }
__scs_overlays_trampoline_lowered:
0x8: {  	[smem:$0x3FA8] =	sst s0  }
0x9: {  	[smem:$0x3FA9] =	sst s1  }
0xa: {  	[smem:$0x3FAA] =	sst s2  }
0xb: {  	[smem:$0x3FAB] =	sst s3  }
0xc: {  	[smem:$0x3FAC] =	sst s4  }
0xd: {  	[smem:$0x3FAD] =	sst s5  }
0xe: {  	[smem:$0x3FAE] =	sst s6  }
0xf: {  	[smem:$0x3FAF] =	sst s7  }
0x10: {  	[smem:$0x3FB0] =	sst s8  }
0x11: {  	[smem:$0x3FB1] =	sst s9;
	s0 =	simm.s32 @!p0 $0x0  }
0x12: {  	s1 =	sld [smem:$0x3F97];
	s0 =	simm.s32 @p0 $0x1  }
0x13: {  	[smem:$0x3FB2] =	sst s0;
	s0 =	simm.s32 @!p1 $0x0  }
0x14: {  	s2 =	sld [smem:$0x3F96];
	s0 =	simm.s32 @p1 $0x1  }
0x15: {  	[smem:$0x3FB3] =	sst s0;
	s0 =	simm.s32 @!p2 $0x0  }
0x16: {  	s3 =	sld [smem:$0x3FDB];
	s0 =	simm.s32 @p2 $0x1  }
0x17: {  	s4 =	simm.s32 $0x1BF5;
	[smem:$0x3FB5] =	sst s0  }
0x18: {  	s0 =	sld [smem:$0x3F98];
	_ =	swait.ge [sflag:s4], $0x0  }
0x19: {  	s7 =	sld [smem:$0x3F99]  }
0x1a: {  	s8 =	sadd.s32 $0xFFFFE003, lr  }
0x1b: {  	s9 =	sadd.s32 $0xFFFFFEF7, lr;
	s5 =	simm.s32 $0xFFFFFFFF;
	p2 =	slt.u32 s8, $0xFFFFF086  }
0x1c: {  	p1 =	slt.u32 s9, $0xF7A;
	s5 =	simm.s32 @!p2 $0x0  }
0x1d: {  	s5 =	simm.s32 @p1 $0x1;
	p0 =	seq.s32 s7, s2  }
0x1e: {  	s7 =	smul.u32 @!p0 $0xF7A, s2;
	p2 =	seq.s32 @!p0 s5, $0x0  }
0x1f: {  	s9 =	smul.u32 $0xF7A, s1;
	s8 =	simm.s32 @!p0 $0x1BF5;
	p2 =	por !p2, p0  }
0x20: {  	[sflag:s8] =	ssyncset.s32 @!p0 $0xFFFFF086;
	s6 =	sadd.s32 @!p0 s3, s7;
	s7 =	simm.s32 @!p0 $0x108  }
0x21: {  	s3 =	sadd.s32 s3, s9;
	s6 =	sadd.s32 @!p0 $0x88, s6;
	s7 =	simm.s32 @p2 $0x1082  }
0x22: {  	[simem:s7], [sflag:s8] =	dma.local @!p0 [hbm:s6], $0xF7A  }
0x23: {  	s9 =	sor.u32 $0xD0000000, s2;
	s6 =	simm.s32 $0x108;
	_ =	swait.ge @!p0 [sflag:s8], $0x0  }
0x24: {  	s3 =	sadd.s32 $0x88, s3;
	s6 =	simm.s32 @!p1 $0x1082;
	[sflag:s4] =	ssyncset.s32 $0xFFFFF086  }
0x25: {  	[simem:s6], [sflag:s4] =	dma.local [hbm:s3], $0xF7A  }
0x26: {  	[smem:$0x3F99] =	sst s1;
	(tag) =	ssettag s2;
	_ =	strace s9  }
0x27: {  	s1 =	sld [smem:$0x3FA9]  }
0x28: {  	s2 =	sld [smem:$0x3FAA]  }
0x29: {  	s4 =	sld [smem:$0x3FAC]  }
0x2a: {  	p0 =	seq.s32 s5, $0x0;
	s5 =	sld [smem:$0x3FAD]  }
0x2b: {  	s6 =	sld [smem:$0x3FAE]  }
0x2c: {  	s7 =	sld [smem:$0x3FAF]  }
0x2d: {  	s3 =	simm.s32 $0x108;
	s8 =	sld [smem:$0x3FB0]  }
0x2e: {  	s3 =	simm.s32 @!p0 $0x1082;
	s9 =	sld [smem:$0x3FB1]  }
0x2f: {  	lr =	sadd.s32 s0, s3;
	s0 =	sld [smem:$0x3FA8]  }
0x30: {  	s3 =	sld [smem:$0x3FAB]  }
0x31: {  	[smem:$0x3FB4] =	sst s10  }
0x32: {  	s10 =	sld [smem:$0x3FB2];
	_ =	sdelay $0x3  }
0x33: {  	p0 =	seq.s32 s10, $0x1;
	s10 =	sld [smem:$0x3FB4];
	_ =	sdelay $0x3  }
0x34: {  	[smem:$0x3FB4] =	sst s10  }
0x35: {  	s10 =	sld [smem:$0x3FB3];
	_ =	sdelay $0x3  }
0x36: {  	p1 =	seq.s32 s10, $0x1;
	s10 =	sld [smem:$0x3FB4];
	_ =	sdelay $0x3  }
0x37: {  	[smem:$0x3FB4] =	sst s10  }
0x38: {  	s10 =	sld [smem:$0x3FB5]  }
0x39: {  	_ = 	snop;
	(pc) =	sbr.ind lr, $3  }
0x3a: {  	_ = 	snop  }
0x3b: {  	_ = 	snop  }
0x3c: {  	p2 =	seq.s32 s10, $0x1;
	s10 =	sld [smem:$0x3FB4]  }
0x3d: {  	_ =	shalt  }
0x3e: {  	_ =	shalt  }
0x3f: {  	_ =	shalt  }
0x40: {  	_ =	shalt  }
0x41: {  	_ =	shalt  }
0x42: {  	_ =	shalt  }
0x43: {  	_ =	shalt  }
0x44: {  	_ =	shalt  }
0x45: {  	_ =	shalt  }
0x46: {  	_ =	shalt  }
0x47: {  	_ =	shalt  }
0x48: {  	_ =	shalt  }
0x49: {  	_ =	shalt  }
0x4a: {  	_ =	shalt  }
0x4b: {  	_ =	shalt  }
0x4c: {  	_ =	shalt  }
0x4d: {  	_ =	shalt  }
0x4e: {  	_ =	shalt  }
0x4f: {  	_ =	shalt  }
0x50: {  	_ =	shalt  }
0x51: {  	_ =	shalt  }
0x52: {  	_ =	shalt  }
0x53: {  	_ =	shalt  }
0x54: {  	_ =	shalt  }
0x55: {  	_ =	shalt  }
0x56: {  	_ =	shalt  }
0x57: {  	_ =	shalt  }
0x58: {  	_ =	shalt  }
0x59: {  	_ =	shalt  }
0x5a: {  	_ =	shalt  }
0x5b: {  	_ =	shalt  }
0x5c: {  	_ =	shalt  }
0x5d: {  	_ =	shalt  }
0x5e: {  	_ =	shalt  }
0x5f: {  	_ =	shalt  }
0x60: {  	_ =	shalt  }
0x61: {  	_ =	shalt  }
0x62: {  	_ =	shalt  }
0x63: {  	_ =	shalt  }
0x64: {  	_ =	shalt  }
0x65: {  	_ =	shalt  }
0x66: {  	_ =	shalt  }
0x67: {  	_ =	shalt  }
0x68: {  	_ =	shalt  }
0x69: {  	_ =	shalt  }
0x6a: {  	_ =	shalt  }
0x6b: {  	_ =	shalt  }
0x6c: {  	_ =	shalt  }
0x6d: {  	_ =	shalt  }
0x6e: {  	_ =	shalt  }
0x6f: {  	_ =	shalt  }
0x70: {  	_ =	shalt  }
0x71: {  	_ =	shalt  }
0x72: {  	_ =	shalt  }
0x73: {  	_ =	shalt  }
0x74: {  	_ =	shalt  }
0x75: {  	_ =	shalt  }
0x76: {  	_ =	shalt  }
0x77: {  	_ =	shalt  }
0x78: {  	_ =	shalt  }
0x79: {  	_ =	shalt  }
0x7a: {  	_ =	shalt  }
0x7b: {  	_ =	shalt  }
0x7c: {  	_ =	shalt  }
0x7d: {  	_ =	shalt  }
0x7e: {  	_ =	shalt  }
0x7f: {  	_ =	shalt  }
0x80: {  	_ =	shalt  }
0x81: {  	_ =	shalt  }
0x82: {  	_ =	shalt  }
0x83: {  	_ =	shalt  }
0x84: {  	_ =	shalt  }
0x85: {  	_ =	shalt  }
0x86: {  	_ =	shalt  }
0x87: {  	_ =	shalt  }
.Lfunc_end0:
.L_simem_size_0:
called_computation.1_lowered:
.L_overlay_start_0:
0x88: {  	s2 =	sld [smem:$0x3FD9]  }
0x89: {  	s3 =	sld [smem:$0x3FFE];
	_ =	sdelay $0x1  }
0x8a: {  	s1 =	srdreg.scid  }
0x8b: {  	s0 =	sand.u32 $0x1, s1  }
0x8c: {  	s16 =	sshll.u32 s0, $0xA;
	s2 =	sadd.s32 s3, s2  }
0x8d: {  	s2 =	sadd.s32 s2, s16  }
0x8e: {  	[smem:$0x3FC0] =	sst s2  }
0x8f: {  	_ = 	snop  }
0x90: {  	(tm) =	ssettm $0x1  }
0x91: {  	s17 =	sld [smem:$0x3FFB];
	_ =	sdelay $0x3  }
0x92: {  	_ =	strace s17  }
0x93: {  	s2 =	sld [smem:$0x3FFC];
	_ =	sdelay $0x3  }
0x94: {  	_ =	strace s2  }
0x95: {  	s2 =	sld [smem:$0x3FFD];
	_ =	sdelay $0x3  }
0x96: {  	_ =	strace s2  }
0x97: {  	_ =	strace $0x8FFFFFFF  }
0x98: {  	s18 =	sld [smem:$0x3FDB];
	_ =	sdelay $0x1  }
0x99: {  	s19 =	simm.s32 $_scs_section_size  }
0x9a: {  	s4 =	simm.s32 $_size__tile_overlayer_lowered;
	s5 =	simm.s32 $_tile_overlayer_lowered  }
0x9b: {  	s22 =	simm.s32 $0x1BFF;
	s21 =	sshll.u32 s5, $0x1;
	s2 =	sadd.s32 s19, s18  }
0x9c: {  	s6 =	simm.s32 $0x0;
	s20 =	sshll.u32 s4, $0x1;
	s4 =	sadd.s32 s21, s2  }
0x9d: {  	[timem:s6], [sflag:s22] =	dma.local [hbm:s4], s20  }
0x9e: {  	_ =	swait.ge [sflag:s22], s20  }
0x9f: {  	s3 =	ssub.s32 $0x0, s20;
	[sflag:s22] =	ssyncset.done $0x0  }
0xa0: {  	[sflag:s22] =	ssyncadd.s32 s3;
	_ =	sdelay $0x1  }
0xa1: {  	s23 =	simm.s32 $0x1B8B  }
0xa2: {  	_ =	swait.ge [sflag:s23], $0x1  }
0xa3: {  	[sflag:s23] =	ssyncset.done $0x0  }
0xa4: {  	s25 =	simm.s32 $0x1B8E;
	s24 =	sld [smem:$0x3FFE];
	[sflag:s23] =	ssyncadd.s32 $0xFFFFFFFF  }
0xa5: {  	s26 =	simm.s32 $execute0_lowered;
	[smem:$0x3FD2] =	sst s25  }
0xa6: {  	s4 =	sshll.u32 s26, $0x1;
	_ =	strace $0x80000049;
	[dreg:$0x1] =	wrdreg $0xFFFFFFFF  }
0xa7: {  	s28 =	simm.s32 $_size_execute0_lowered;
	s2 =	sadd.s32 s2, s4;
	[dreg:$0x0] =	wrdreg $0x0  }
0xa8: {  	s4 =	sshll.u32 s28, $0x1;
	[dreg:$0x2] =	wrdreg s2  }
0xa9: {  	[dreg:$0x3] =	wrdreg s4  }
0xaa: {  	[dreg:$0x4] =	wrdreg $0xC0  }
0xab: {  	_ =	task [dreg:s6], $0x5FFFF  }
0xac: {  	[dreg:$0x1] =	wrdreg $0xFFFFFFFF  }
0xad: {  	[dreg:$0x0] =	wrdreg $0x60  }
0xae: {  	[dreg:$0x2] =	wrdreg s24  }
0xaf: {  	[dreg:$0x3] =	wrdreg $0x0  }
0xb0: {  	[dreg:$0x4] =	wrdreg $0x9  }
0xb1: {  	_ =	task.clear_ibuf [dreg:s6], $0x5FFFF;
	_ =	strace $0x90000049  }
0xb2: {  	s29 =	simm.s32 $0x9;
	_ =	strace $0x8000004B  }
0xb3: {  	_ =	swait.ge [sflag:s29], $0x1  }
0xb4: {  	[sflag:s29] =	ssyncadd.s32 $0xFFFFFFFF  }
0xb5: {  	_ =	strace $0x9000004B  }
0xb6: {  	_ =	sfence  }
0xb7: {  	s30 =	sld [smem:$0x0];
	_ =	sdelay $0x2  }
0xb8: {  	s31 =	sshll.u32 s1, $0xD;
	s1 =	sshrl.u32 s1, $0x2  }
0xb9: {  	s3 =	sand.u32 $0x4000, s31;
	s1 =	sadd.s32 s1, s30  }
0xba: {  	s0 =	sor.u32 s3, s0;
	s1 =	sshll.u32 s1, $0x11  }
0xbb: {  	s0 =	sor.u32 s1, s0  }
0xbc: {  	s0 =	sadd.s32 $0x8F2B, s0  }
0xbd: {  	[sflag:s0] =	ssyncadd.remote.s32 $0x1  }
0xbe: {  	_ =	sfence.sel $0xFFFF  }
0xbf: {  	[dreg:$0x0] =	wrdreg $0xFFFFFFFF;
	(pc) =	sbr.abs _section_cstart, $3  }
0xc0: {  	[dreg:$0x1] =	wrdreg $0xFFFFFFFF  }
0xc1: {  	_ =	task.clear_ibuf [dreg:s6], $0x2FFFF;
	_ =	strace $0x9FFFFFFF  }
0xc2: {  	(tm) =	ssettm $0x7FFFFFFF  }
0xc3: {  	_ =	shalt  }
tec
execute0_lowered:
.L_overlay_start_1:
0x0: {  	(tag) =	ssettag $0x1  }
0x1: {  	s6 =	rddreg [dreg:$0x0]  }
0x2: {  	s1 =	rddreg [dreg:$0x1];
	s2 =	srdreg.scid  }
0x3: {  	s0 =	rddreg [dreg:$0x2];
	s3 =	simm.s32 $0x0;
	s19 =	simm.s32 $0x13D00  }
0x4: {  	s20 =	simm.s32 $0x2;
	s21 =	simm.s32 $0x13C00;
	s7 =	sand.u32 $0x1, s2  }
0x5: {  	s22 =	simm.s32 $0x13C80;
	s2 =	stileid.u32;
	s5 =	smul.u32 $0x5000, s7  }
0x6: {  	s23 =	simm.s32 $0x80;
	s24 =	simm.s32 $0x1;
	s8 =	smul.u32 $0x278, s2  }
0x7: {  	s25 =	simm.s32 $0x0;
	[smem:$0x7FF] =	sst s3;
	s9 =	smul.u32 $0x2780, s7  }
0x8: {  	s4 =	sadd.s32 $0x17200, s6;
	s10 =	smul.u32 $0x4F000, s2;
	s7 =	ssub.s32 $0x2, s7  }
0x9: {  	_ =	strace $0x8000004A;
	s18 =	smul.u32 $0x500, s2;
	s31 =	sshrl.u32 s7, $0x1  }
0xa: {  	s17 =	sadd.s32 s5, s6;
	s5 =	sadd.s32 $0x16A00, s6;
	s8 =	sadd.s32 s8, s9  }
0xb: {  	s10 =	sshrl.u32 s10, $0x2;
	s16 =	ssub.s32 s7, s31;
	s8 =	sshll.u32 s8, $0x4  }
0xc: {  	s16 =	smax.u32 s16, $0x1;
	s18 =	sadd.s32 s18, s17;
	s15 =	sadd.s32 s8, s6  }
0xd: {  	s6 =	sadd.s32 s10, s1;
	s17 =	sadd.s32 $0x2600, s18;
	s18 =	sadd.s32 $0xC600, s18  }
0xe: {  	s7 =	sadd.s32 $0x4000, s6;
	s8 =	sadd.s32 $0x8000, s6;
	s9 =	sadd.s32 $0xC000, s6  }
0xf: {  	s10 =	sadd.s32 $0xFC00, s6;
	s11 =	sadd.s32 $0x3E400, s15;
	s12 =	sadd.s32 $0x3EC00, s15  }
0x10: {  	s13 =	sadd.s32 $0x3F400, s15;
	s14 =	sadd.s32 $0x3FC00, s15;
	s15 =	sadd.s32 $0x40380, s15  }
.LBB2_1:
0x11: {  	[tilespmem:s19], [sflag:$0x2] =	stream.linear.gather [hbm4b:s5+s3], $0x4000, $0x38;
	[tilespmem:$0x17D00] =	vst v63  }
0x12: {  	_ =	swait.ge [sflag:s20], $0x4000  }
0x13: {  	[sflag:s20] =	ssyncset.done $0x0  }
0x14: {  	[sflag:s20] =	ssyncadd.s32 $0xFFFFC000  }
0x15: {  	[spmem:s6] =	stream.linear.scatter [tilespmem:s19], [sflag:$0x2], $0x4000, $0x38;
	[tilespmem:$0x17D00] =	vst v63  }
0x16: {  	_ =	swait.ge [sflag:s20], $0x4000  }
0x17: {  	[sflag:s20] =	ssyncset.done $0x0  }
0x18: {  	[sflag:s20] =	ssyncadd.s32 $0xFFFFC000  }
0x19: {  	[spmem:s7] =	stream.linear.scatter [tilespmem:s19], [sflag:$0x2], $0x4000, $0x38;
	[tilespmem:$0x17D00] =	vst v63  }
0x1a: {  	_ =	swait.ge [sflag:s20], $0x4000  }
0x1b: {  	[sflag:s20] =	ssyncset.done $0x0  }
0x1c: {  	[sflag:s20] =	ssyncadd.s32 $0xFFFFC000  }
0x1d: {  	[spmem:s8] =	stream.linear.scatter [tilespmem:s19], [sflag:$0x2], $0x4000, $0x38;
	[tilespmem:$0x17D00] =	vst v63  }
0x1e: {  	_ =	swait.ge [sflag:s20], $0x4000  }
0x1f: {  	[sflag:s20] =	ssyncset.done $0x0  }
0x20: {  	[sflag:s20] =	ssyncadd.s32 $0xFFFFC000  }
0x21: {  	[spmem:s9] =	stream.linear.scatter [tilespmem:s19], [sflag:$0x2], $0x4000, $0x38;
	[tilespmem:$0x17D00] =	vst v63  }
0x22: {  	_ =	swait.ge [sflag:s20], $0x4000  }
0x23: {  	[sflag:s20] =	ssyncset.done $0x0  }
0x24: {  	[sflag:s20] =	ssyncadd.s32 $0xFFFFC000  }
0x25: {  	[spmem:s10] =	stream.linear.scatter [tilespmem:s19], [sflag:$0x2], $0x4000, $0x38;
	[tilespmem:$0x17D00] =	vst v63  }
0x26: {  	_ =	swait.ge [sflag:s20], $0x4000  }
0x27: {  	[sflag:s20] =	ssyncset.done $0x0  }
0x28: {  	[sflag:s20] =	ssyncadd.s32 $0xFFFFC000  }
0x29: {  	s26 =	sadd.s32 $0x0, s18;
	[bflag:$0x0] =	sbarrier.arrive $0xFFFF  }
0x2a: {  	[tilespmem:s21], [sflag:$0x2] =	stream.linear.gather [hbm4b:s26+s3], $0x80, $0x38;
	[tilespmem:$0x17D00] =	vst v63  }
0x2b: {  	_ =	swait.ge [sflag:s20], $0x80  }
0x2c: {  	[sflag:s20] =	ssyncset.done $0x0  }
0x2d: {  	s31 =	sadd.s32 $0x0, s17;
	[sflag:s20] =	ssyncadd.s32 $0xFFFFFF80  }
0x2e: {  	[tilespmem:s22], [sflag:$0x2] =	stream.linear.gather [hbm4b:s31+s3], $0x80, $0x38;
	[tilespmem:$0x17D00] =	vst v63  }
0x2f: {  	_ =	swait.ge [sflag:s20], $0x80  }
0x30: {  	[sflag:s20] =	ssyncset.done $0x0  }
0x31: {  	[sflag:s20] =	ssyncadd.s32 $0xFFFFFF80  }
0x32: {  	[tilespmem:s19], [sflag:$0x1] =	stream.indirect.gather [hbm4b:s4+s23], $0x80, s21, s23, $0xb8;
	[tilespmem:$0x17D00] =	vst v63  }
0x33: {  	_ =	swait.ge [sflag:s24], $0x4000  }
0x34: {  	[sflag:s24] =	ssyncset.done $0x0  }
0x35: {  	[sflag:s24] =	ssyncadd.s32 $0xFFFFC000  }
0x36: {  	[spmem:s1] =	stream.indirect.scatter.add.f32 [tilespmem:s19], [sflag:$0x2], $0x80, s22, s23, $0xb8;
	[tilespmem:$0x17D00] =	vst v63  }
0x37: {  	_ =	swait.ge [sflag:s20], $0x4000  }
0x38: {  	s28 =	simm.s32 $0x20;
	s26 =	simm.s32 $0x10;
	[sflag:s20] =	ssyncset.done $0x0  }
.LBB2_2:
0x39: {  	s29 =	sadd.s32 s26, s18  }
0x3a: {  	[sflag:s20] =	ssyncadd.s32 $0xFFFFC000;
	s30 =	smov.u32 s28;
	s31 =	sadd.s32 $0x10, s28  }
0x3b: {  	[tilespmem:s21], [sflag:$0x2] =	stream.linear.gather [hbm4b:s29+s3], $0x80, $0x38;
	[tilespmem:$0x17D00] =	vst v63  }
0x3c: {  	p0 =	sne.s32 s28, $0x4F0;
	_ =	swait.ge [sflag:s20], $0x80  }
0x3d: {  	[sflag:s20] =	ssyncset.done $0x0  }
0x3e: {  	s28 =	sadd.s32 s26, s17;
	s26 =	smov.u32 s30;
	[sflag:s20] =	ssyncadd.s32 $0xFFFFFF80  }
0x3f: {  	[tilespmem:s22], [sflag:$0x2] =	stream.linear.gather [hbm4b:s28+s3], $0x80, $0x38;
	[tilespmem:$0x17D00] =	vst v63  }
0x40: {  	_ =	swait.ge [sflag:s20], $0x80  }
0x41: {  	[sflag:s20] =	ssyncset.done $0x0  }
0x42: {  	[sflag:s20] =	ssyncadd.s32 $0xFFFFFF80  }
0x43: {  	[tilespmem:s19], [sflag:$0x1] =	stream.indirect.gather [hbm4b:s4+s23], $0x80, s21, s23, $0xb8;
	[tilespmem:$0x17D00] =	vst v63  }
0x44: {  	_ =	swait.ge [sflag:s24], $0x4000  }
.Ltmp0:
0x45: {  	[sflag:s24] =	ssyncset.done $0x0;
	(pc) =	sbr.rel @p0 .LBB2_2-.Ltmp0, $4  }
0x46: {  	[sflag:s24] =	ssyncadd.s32 $0xFFFFC000  }
0x47: {  	[spmem:s1] =	stream.indirect.scatter.add.f32 [tilespmem:s19], [sflag:$0x2], $0x80, s22, s23, $0xb8;
	[tilespmem:$0x17D00] =	vst v63  }
0x48: {  	_ =	swait.ge [sflag:s20], $0x4000  }
0x49: {  	s28 =	smov.u32 s31;
	[sflag:s20] =	ssyncset.done $0x0  }
0x4a: {  	s28 =	sadd.s32 s26, s18;
	[sflag:s20] =	ssyncadd.s32 $0xFFFFC000  }
0x4b: {  	[tilespmem:s21], [sflag:$0x2] =	stream.linear.gather [hbm4b:s28+s3], $0x80, $0x38;
	[tilespmem:$0x17D00] =	vst v63  }
0x4c: {  	_ =	swait.ge [sflag:s20], $0x80  }
0x4d: {  	[sflag:s20] =	ssyncset.done $0x0  }
0x4e: {  	s31 =	sadd.s32 s26, s17;
	[sflag:s20] =	ssyncadd.s32 $0xFFFFFF80  }
0x4f: {  	[tilespmem:s22], [sflag:$0x2] =	stream.linear.gather [hbm4b:s31+s3], $0x80, $0x38;
	[tilespmem:$0x17D00] =	vst v63  }
0x50: {  	_ =	swait.ge [sflag:s20], $0x80  }
0x51: {  	[sflag:s20] =	ssyncset.done $0x0  }
0x52: {  	[sflag:s20] =	ssyncadd.s32 $0xFFFFFF80  }
0x53: {  	[tilespmem:s19], [sflag:$0x1] =	stream.indirect.gather [hbm4b:s4+s23], $0x80, s21, s23, $0xb8;
	[tilespmem:$0x17D00] =	vst v63  }
0x54: {  	_ =	swait.ge [sflag:s24], $0x4000  }
0x55: {  	[sflag:s24] =	ssyncset.done $0x0  }
0x56: {  	[sflag:s24] =	ssyncadd.s32 $0xFFFFC000  }
0x57: {  	[spmem:s1] =	stream.indirect.scatter.add.f32 [tilespmem:s19], [sflag:$0x2], $0x80, s22, s23, $0xb8;
	[tilespmem:$0x17D00] =	vst v63  }
0x58: {  	_ =	swait.ge [sflag:s20], $0x4000  }
0x59: {  	[sflag:s20] =	ssyncset.done $0x0  }
0x5a: {  	[sflag:s20] =	ssyncadd.s32 $0xFFFFC000  }
0x5b: {  	[bflag:$0x0] =	sbarrier.arrive $0xFFFF  }
0x5c: {  	[tilespmem:s19], [sflag:$0x2] =	stream.linear.gather [spmem:s6], $0x4000, $0x38;
	[tilespmem:$0x17D00] =	vst v63  }
0x5d: {  	_ =	swait.ge [sflag:s20], $0x4000  }
0x5e: {  	[sflag:s20] =	ssyncset.done $0x0  }
0x5f: {  	[sflag:s20] =	ssyncadd.s32 $0xFFFFC000  }
0x60: {  	[hbm4b:s11+s3] =	stream.linear.scatter [tilespmem:s19], [sflag:$0x2], $0x4000, $0x38;
	[tilespmem:$0x17D00] =	vst v63  }
0x61: {  	_ =	swait.ge [sflag:s20], $0x4000  }
0x62: {  	[sflag:s20] =	ssyncset.done $0x0  }
0x63: {  	[sflag:s20] =	ssyncadd.s32 $0xFFFFC000  }
0x64: {  	[tilespmem:s19], [sflag:$0x2] =	stream.linear.gather [spmem:s7], $0x4000, $0x38;
	[tilespmem:$0x17D00] =	vst v63  }
0x65: {  	_ =	swait.ge [sflag:s20], $0x4000  }
0x66: {  	[sflag:s20] =	ssyncset.done $0x0  }
0x67: {  	[sflag:s20] =	ssyncadd.s32 $0xFFFFC000  }
0x68: {  	[hbm4b:s12+s3] =	stream.linear.scatter [tilespmem:s19], [sflag:$0x2], $0x4000, $0x38;
	[tilespmem:$0x17D00] =	vst v63  }
0x69: {  	_ =	swait.ge [sflag:s20], $0x4000  }
0x6a: {  	[sflag:s20] =	ssyncset.done $0x0  }
0x6b: {  	[sflag:s20] =	ssyncadd.s32 $0xFFFFC000  }
0x6c: {  	[tilespmem:s19], [sflag:$0x2] =	stream.linear.gather [spmem:s8], $0x4000, $0x38;
	[tilespmem:$0x17D00] =	vst v63  }
0x6d: {  	_ =	swait.ge [sflag:s20], $0x4000  }
0x6e: {  	[sflag:s20] =	ssyncset.done $0x0  }
0x6f: {  	[sflag:s20] =	ssyncadd.s32 $0xFFFFC000  }
0x70: {  	[hbm4b:s13+s3] =	stream.linear.scatter [tilespmem:s19], [sflag:$0x2], $0x4000, $0x38;
	[tilespmem:$0x17D00] =	vst v63  }
0x71: {  	_ =	swait.ge [sflag:s20], $0x4000  }
0x72: {  	[sflag:s20] =	ssyncset.done $0x0  }
0x73: {  	[sflag:s20] =	ssyncadd.s32 $0xFFFFC000  }
0x74: {  	[tilespmem:s19], [sflag:$0x2] =	stream.linear.gather [spmem:s9], $0x4000, $0x38;
	[tilespmem:$0x17D00] =	vst v63  }
0x75: {  	_ =	swait.ge [sflag:s20], $0x4000  }
0x76: {  	[sflag:s20] =	ssyncset.done $0x0  }
0x77: {  	[sflag:s20] =	ssyncadd.s32 $0xFFFFC000  }
0x78: {  	[hbm4b:s14+s3] =	stream.linear.scatter [tilespmem:s19], [sflag:$0x2], $0x4000, $0x38;
	[tilespmem:$0x17D00] =	vst v63  }
0x79: {  	_ =	swait.ge [sflag:s20], $0x4000  }
0x7a: {  	[sflag:s20] =	ssyncset.done $0x0  }
0x7b: {  	[sflag:s20] =	ssyncadd.s32 $0xFFFFC000  }
0x7c: {  	[tilespmem:s19], [sflag:$0x2] =	stream.linear.gather [spmem:s10], $0x4000, $0x38;
	[tilespmem:$0x17D00] =	vst v63  }
0x7d: {  	s25 =	sadd.s32 $0x1, s25;
	_ =	swait.ge [sflag:s20], $0x4000  }
0x7e: {  	p0 =	sne.s32 s25, s16;
	[sflag:s20] =	ssyncset.done $0x0  }
.Ltmp1:
0x7f: {  	[sflag:s20] =	ssyncadd.s32 $0xFFFFC000;
	(pc) =	sbr.rel @p0 .LBB2_1-.Ltmp1, $4  }
0x80: {  	[hbm4b:s15+s3] =	stream.linear.scatter [tilespmem:s19], [sflag:$0x2], $0x4000, $0x38;
	[tilespmem:$0x17D00] =	vst v63  }
0x81: {  	_ =	swait.ge [sflag:s20], $0x4000  }
0x82: {  	[sflag:s20] =	ssyncset.done $0x0  }
0x83: {  	[sflag:s20] =	ssyncadd.s32 $0xFFFFC000  }
0x84: {  	_ =	sfence.sel $0x180000  }
0x85: {  	[bflag:$0x0] =	sbarrier.arrive $0xFFFF  }
0x86: {  	p0 =	sne.s32 s2, $0x0;
	_ =	strace $0x9000004A  }
0x87: {  	s0 =	sadd.s32 @!p0 $0x100000, s0;
	[bflag:$0x2] =	sbarrier.arrive $0xFFFF  }
0x88: {  	[sflag:s0] =	ssyncadd.tile.s32 @!p0 $0x1;
	_ =	shalt  }
.Lfunc_end2:
_tile_overlayer_lowered:
.L_overlay_start_2:
0x89: {  	(tag) =	ssettag $0x2  }
0x8a: {  	s0 =	rddreg [dreg:$0x0];
	s2 =	stileid.u32  }
0x8b: {  	s1 =	rddreg [dreg:$0x1];
	p0 =	sne.s32 s2, $0x0  }
0x8c: {  	s3 =	rddreg [dreg:$0x2];
	[bflag:$0x3] =	sbarrier.arrive $0xFFFF;
	s2 =	simm.s32 @!p0 $0x1C02  }
0x8d: {  	[timem:s3], [sflag:s2] =	dma.local @!p0 [hbm:s0], s1  }
0x8e: {  	s0 =	simm.s32 @!p0 $0x2  }
0x8f: {  	_ =	swait.ge @!p0 [sflag:s0], s1  }
0x90: {  	s1 =	ssub.s32 @!p0 $0x0, s1;
	[sflag:s0] =	ssyncset.done @!p0 $0x0  }
0x91: {  	[sflag:s0] =	ssyncadd.s32 @!p0 s1  }
0x92: {  	[bflag:$0x3] =	sbarrier.arrive $0xFFFF  }
0x93: {  	_ =	shalt  }

// kernel: kernel.7.cloned.1.call-start
scs
__scs_entry_jumppad:
0x0: {  	(pc) =	sbr.rel $0x88, $3  }
0x1: {  	(tag) =	ssettag $0x0;
	lr =	simm.s32 $0x1  }
0x2: {  	[smem:$0x3F99] =	sst lr;
	_ =	strace $0xD0000000  }
0x3: {  	_ = 	snop  }
0x4: {  	_ = 	snop  }
0x5: {  	_ = 	snop  }
0x6: {  	_ = 	snop  }
0x7: {  	_ = 	snop  }
__scs_overlays_trampoline_lowered:
0x8: {  	[smem:$0x3FA8] =	sst s0  }
0x9: {  	[smem:$0x3FA9] =	sst s1  }
0xa: {  	[smem:$0x3FAA] =	sst s2  }
0xb: {  	[smem:$0x3FAB] =	sst s3  }
0xc: {  	[smem:$0x3FAC] =	sst s4  }
0xd: {  	[smem:$0x3FAD] =	sst s5  }
0xe: {  	[smem:$0x3FAE] =	sst s6  }
0xf: {  	[smem:$0x3FAF] =	sst s7  }
0x10: {  	[smem:$0x3FB0] =	sst s8  }
0x11: {  	[smem:$0x3FB1] =	sst s9;
	s0 =	simm.s32 @!p0 $0x0  }
0x12: {  	s1 =	sld [smem:$0x3F97];
	s0 =	simm.s32 @p0 $0x1  }
0x13: {  	[smem:$0x3FB2] =	sst s0;
	s0 =	simm.s32 @!p1 $0x0  }
0x14: {  	s2 =	sld [smem:$0x3F96];
	s0 =	simm.s32 @p1 $0x1  }
0x15: {  	[smem:$0x3FB3] =	sst s0;
	s0 =	simm.s32 @!p2 $0x0  }
0x16: {  	s3 =	sld [smem:$0x3FDB];
	s0 =	simm.s32 @p2 $0x1  }
0x17: {  	s4 =	simm.s32 $0x1BF5;
	[smem:$0x3FB5] =	sst s0  }
0x18: {  	s0 =	sld [smem:$0x3F98];
	_ =	swait.ge [sflag:s4], $0x0  }
0x19: {  	s7 =	sld [smem:$0x3F99]  }
0x1a: {  	s8 =	sadd.s32 $0xFFFFE003, lr  }
0x1b: {  	s9 =	sadd.s32 $0xFFFFFEF7, lr;
	s5 =	simm.s32 $0xFFFFFFFF;
	p2 =	slt.u32 s8, $0xFFFFF086  }
0x1c: {  	p1 =	slt.u32 s9, $0xF7A;
	s5 =	simm.s32 @!p2 $0x0  }
0x1d: {  	s5 =	simm.s32 @p1 $0x1;
	p0 =	seq.s32 s7, s2  }
0x1e: {  	s7 =	smul.u32 @!p0 $0xF7A, s2;
	p2 =	seq.s32 @!p0 s5, $0x0  }
0x1f: {  	s9 =	smul.u32 $0xF7A, s1;
	s8 =	simm.s32 @!p0 $0x1BF5;
	p2 =	por !p2, p0  }
0x20: {  	[sflag:s8] =	ssyncset.s32 @!p0 $0xFFFFF086;
	s6 =	sadd.s32 @!p0 s3, s7;
	s7 =	simm.s32 @!p0 $0x108  }
0x21: {  	s3 =	sadd.s32 s3, s9;
	s6 =	sadd.s32 @!p0 $0x88, s6;
	s7 =	simm.s32 @p2 $0x1082  }
0x22: {  	[simem:s7], [sflag:s8] =	dma.local @!p0 [hbm:s6], $0xF7A  }
0x23: {  	s9 =	sor.u32 $0xD0000000, s2;
	s6 =	simm.s32 $0x108;
	_ =	swait.ge @!p0 [sflag:s8], $0x0  }
0x24: {  	s3 =	sadd.s32 $0x88, s3;
	s6 =	simm.s32 @!p1 $0x1082;
	[sflag:s4] =	ssyncset.s32 $0xFFFFF086  }
0x25: {  	[simem:s6], [sflag:s4] =	dma.local [hbm:s3], $0xF7A  }
0x26: {  	[smem:$0x3F99] =	sst s1;
	(tag) =	ssettag s2;
	_ =	strace s9  }
0x27: {  	s1 =	sld [smem:$0x3FA9]  }
0x28: {  	s2 =	sld [smem:$0x3FAA]  }
0x29: {  	s4 =	sld [smem:$0x3FAC]  }
0x2a: {  	p0 =	seq.s32 s5, $0x0;
	s5 =	sld [smem:$0x3FAD]  }
0x2b: {  	s6 =	sld [smem:$0x3FAE]  }
0x2c: {  	s7 =	sld [smem:$0x3FAF]  }
0x2d: {  	s3 =	simm.s32 $0x108;
	s8 =	sld [smem:$0x3FB0]  }
0x2e: {  	s3 =	simm.s32 @!p0 $0x1082;
	s9 =	sld [smem:$0x3FB1]  }
0x2f: {  	lr =	sadd.s32 s0, s3;
	s0 =	sld [smem:$0x3FA8]  }
0x30: {  	s3 =	sld [smem:$0x3FAB]  }
0x31: {  	[smem:$0x3FB4] =	sst s10  }
0x32: {  	s10 =	sld [smem:$0x3FB2];
	_ =	sdelay $0x3  }
0x33: {  	p0 =	seq.s32 s10, $0x1;
	s10 =	sld [smem:$0x3FB4];
	_ =	sdelay $0x3  }
0x34: {  	[smem:$0x3FB4] =	sst s10  }
0x35: {  	s10 =	sld [smem:$0x3FB3];
	_ =	sdelay $0x3  }
0x36: {  	p1 =	seq.s32 s10, $0x1;
	s10 =	sld [smem:$0x3FB4];
	_ =	sdelay $0x3  }
0x37: {  	[smem:$0x3FB4] =	sst s10  }
0x38: {  	s10 =	sld [smem:$0x3FB5]  }
0x39: {  	_ = 	snop;
	(pc) =	sbr.ind lr, $3  }
0x3a: {  	_ = 	snop  }
0x3b: {  	_ = 	snop  }
0x3c: {  	p2 =	seq.s32 s10, $0x1;
	s10 =	sld [smem:$0x3FB4]  }
0x3d: {  	_ =	shalt  }
0x3e: {  	_ =	shalt  }
0x3f: {  	_ =	shalt  }
0x40: {  	_ =	shalt  }
0x41: {  	_ =	shalt  }
0x42: {  	_ =	shalt  }
0x43: {  	_ =	shalt  }
0x44: {  	_ =	shalt  }
0x45: {  	_ =	shalt  }
0x46: {  	_ =	shalt  }
0x47: {  	_ =	shalt  }
0x48: {  	_ =	shalt  }
0x49: {  	_ =	shalt  }
0x4a: {  	_ =	shalt  }
0x4b: {  	_ =	shalt  }
0x4c: {  	_ =	shalt  }
0x4d: {  	_ =	shalt  }
0x4e: {  	_ =	shalt  }
0x4f: {  	_ =	shalt  }
0x50: {  	_ =	shalt  }
0x51: {  	_ =	shalt  }
0x52: {  	_ =	shalt  }
0x53: {  	_ =	shalt  }
0x54: {  	_ =	shalt  }
0x55: {  	_ =	shalt  }
0x56: {  	_ =	shalt  }
0x57: {  	_ =	shalt  }
0x58: {  	_ =	shalt  }
0x59: {  	_ =	shalt  }
0x5a: {  	_ =	shalt  }
0x5b: {  	_ =	shalt  }
0x5c: {  	_ =	shalt  }
0x5d: {  	_ =	shalt  }
0x5e: {  	_ =	shalt  }
0x5f: {  	_ =	shalt  }
0x60: {  	_ =	shalt  }
0x61: {  	_ =	shalt  }
0x62: {  	_ =	shalt  }
0x63: {  	_ =	shalt  }
0x64: {  	_ =	shalt  }
0x65: {  	_ =	shalt  }
0x66: {  	_ =	shalt  }
0x67: {  	_ =	shalt  }
0x68: {  	_ =	shalt  }
0x69: {  	_ =	shalt  }
0x6a: {  	_ =	shalt  }
0x6b: {  	_ =	shalt  }
0x6c: {  	_ =	shalt  }
0x6d: {  	_ =	shalt  }
0x6e: {  	_ =	shalt  }
0x6f: {  	_ =	shalt  }
0x70: {  	_ =	shalt  }
0x71: {  	_ =	shalt  }
0x72: {  	_ =	shalt  }
0x73: {  	_ =	shalt  }
0x74: {  	_ =	shalt  }
0x75: {  	_ =	shalt  }
0x76: {  	_ =	shalt  }
0x77: {  	_ =	shalt  }
0x78: {  	_ =	shalt  }
0x79: {  	_ =	shalt  }
0x7a: {  	_ =	shalt  }
0x7b: {  	_ =	shalt  }
0x7c: {  	_ =	shalt  }
0x7d: {  	_ =	shalt  }
0x7e: {  	_ =	shalt  }
0x7f: {  	_ =	shalt  }
0x80: {  	_ =	shalt  }
0x81: {  	_ =	shalt  }
0x82: {  	_ =	shalt  }
0x83: {  	_ =	shalt  }
0x84: {  	_ =	shalt  }
0x85: {  	_ =	shalt  }
0x86: {  	_ =	shalt  }
0x87: {  	_ =	shalt  }
.Lfunc_end0:
.L_simem_size_0:
called_computation_lowered:
.L_overlay_start_0:
0x88: {  	s2 =	sld [smem:$0x3FD9]  }
0x89: {  	s3 =	sld [smem:$0x3FFE];
	_ =	sdelay $0x1  }
0x8a: {  	s1 =	srdreg.scid  }
0x8b: {  	s0 =	sand.u32 $0x1, s1  }
0x8c: {  	s17 =	sshll.u32 s0, $0xA;
	s2 =	sadd.s32 s3, s2  }
0x8d: {  	s2 =	sadd.s32 s2, s17  }
0x8e: {  	[smem:$0x3FC0] =	sst s2  }
0x8f: {  	_ = 	snop  }
0x90: {  	s2 =	sld [smem:$0x3FD0];
	(tm) =	ssettm $0x1  }
0x91: {  	s18 =	sld [smem:$0x3FFB];
	_ =	sdelay $0x3  }
0x92: {  	_ =	strace s18  }
0x93: {  	s3 =	sld [smem:$0x3FFC];
	_ =	sdelay $0x3  }
0x94: {  	_ =	strace s3  }
0x95: {  	s3 =	sld [smem:$0x3FFD];
	_ =	sdelay $0x3  }
0x96: {  	_ =	strace s3  }
0x97: {  	_ =	strace $0x8FFFFFFF  }
0x98: {  	s19 =	sld [smem:$0x3FDB];
	_ =	sdelay $0x1  }
0x99: {  	s4 =	simm.s32 $_scs_section_size  }
0x9a: {  	s5 =	simm.s32 $_size__tile_overlayer_lowered;
	s6 =	simm.s32 $_tile_overlayer_lowered  }
0x9b: {  	s22 =	simm.s32 $0x1BFF;
	s21 =	sshll.u32 s6, $0x1;
	s3 =	sadd.s32 s4, s19  }
0x9c: {  	s7 =	simm.s32 $0x0;
	s20 =	sshll.u32 s5, $0x1;
	s5 =	sadd.s32 s21, s3  }
0x9d: {  	[timem:s7], [sflag:s22] =	dma.local [hbm:s5], s20  }
0x9e: {  	_ =	swait.ge [sflag:s22], s20  }
0x9f: {  	s4 =	ssub.s32 $0x0, s20;
	[sflag:s22] =	ssyncset.done $0x0  }
0xa0: {  	[sflag:s22] =	ssyncadd.s32 s4;
	_ =	sdelay $0x1  }
0xa1: {  	s23 =	simm.s32 $0x1B8B  }
0xa2: {  	_ =	swait.ge [sflag:s23], $0x1  }
0xa3: {  	[sflag:s23] =	ssyncset.done $0x0  }
0xa4: {  	s25 =	simm.s32 $0x1B8E;
	s24 =	sld [smem:$0x3FFE];
	[sflag:s23] =	ssyncadd.s32 $0xFFFFFFFF  }
0xa5: {  	s26 =	simm.s32 $execute0_lowered;
	[smem:$0x3FD2] =	sst s25  }
0xa6: {  	s5 =	sshll.u32 s26, $0x1;
	_ =	strace $0x80000046;
	[dreg:$0x1] =	wrdreg $0xFFFFFFFF  }
0xa7: {  	s28 =	simm.s32 $_size_execute0_lowered;
	s3 =	sadd.s32 s3, s5;
	[dreg:$0x0] =	wrdreg $0x0  }
0xa8: {  	s5 =	sshll.u32 s28, $0x1;
	[dreg:$0x2] =	wrdreg s3  }
0xa9: {  	[dreg:$0x3] =	wrdreg s5  }
0xaa: {  	[dreg:$0x4] =	wrdreg $0xC0  }
0xab: {  	_ =	task [dreg:s7], $0x5FFFF  }
0xac: {  	[dreg:$0x1] =	wrdreg $0xFFFFFFFF  }
0xad: {  	[dreg:$0x0] =	wrdreg $0x60  }
0xae: {  	[dreg:$0x2] =	wrdreg s2  }
0xaf: {  	[dreg:$0x3] =	wrdreg s24  }
0xb0: {  	[dreg:$0x4] =	wrdreg $0x0  }
0xb1: {  	[dreg:$0x5] =	wrdreg $0x13C000  }
0xb2: {  	[dreg:$0x6] =	wrdreg $0x9  }
0xb3: {  	_ =	task.clear_ibuf [dreg:s7], $0x7FFFF;
	_ =	strace $0x90000046  }
0xb4: {  	s29 =	simm.s32 $0x9;
	_ =	strace $0x80000048  }
0xb5: {  	_ =	swait.ge [sflag:s29], $0x1  }
0xb6: {  	[sflag:s29] =	ssyncadd.s32 $0xFFFFFFFF  }
0xb7: {  	_ =	strace $0x90000048  }
0xb8: {  	_ =	sfence  }
0xb9: {  	s30 =	sld [smem:$0x0];
	_ =	sdelay $0x2  }
0xba: {  	s31 =	sshll.u32 s1, $0xD;
	s1 =	sshrl.u32 s1, $0x2  }
0xbb: {  	s3 =	sand.u32 $0x4000, s31;
	s1 =	sadd.s32 s1, s30  }
0xbc: {  	s0 =	sor.u32 s3, s0;
	s1 =	sshll.u32 s1, $0x11  }
0xbd: {  	s0 =	sor.u32 s1, s0  }
0xbe: {  	s0 =	sadd.s32 $0x8F2B, s0  }
0xbf: {  	[sflag:s0] =	ssyncadd.remote.s32 $0x1  }
0xc0: {  	_ =	sfence.sel $0xFFFF  }
0xc1: {  	[dreg:$0x0] =	wrdreg $0xFFFFFFFF;
	(pc) =	sbr.abs _section_cstart, $3  }
0xc2: {  	[dreg:$0x1] =	wrdreg $0xFFFFFFFF  }
0xc3: {  	_ =	task.clear_ibuf [dreg:s7], $0x2FFFF;
	_ =	strace $0x9FFFFFFF  }
0xc4: {  	(tm) =	ssettm $0x7FFFFFFF  }
0xc5: {  	_ =	shalt  }
tec
execute0_lowered:
.L_overlay_start_1:
0x0: {  	(tag) =	ssettag $0x1  }
0x1: {  	s1 =	rddreg [dreg:$0x0]  }
0x2: {  	s0 =	rddreg [dreg:$0x1]  }
0x3: {  	s2 =	rddreg [dreg:$0x2]  }
0x4: {  	s3 =	rddreg [dreg:$0x3];
	s5 =	srdreg.scid  }
0x5: {  	s4 =	simm.s32 $0x0;
	s19 =	stileid.u32;
	s5 =	sand.u32 $0x1, s5  }
0x6: {  	[smem:$0x7FF] =	sst s4;
	s7 =	sadd.s32 $0x16A00, s0;
	s8 =	sadd.s32 $0x16800, s0  }
0x7: {  	s21 =	sadd.s32 $0x16600, s0;
	s10 =	sadd.s32 $0x17200, s0;
	s9 =	smul.u32 $0x4F000, s19  }
0x8: {  	s6 =	smul.u32 $0x5000, s5;
	_ =	strace $0x80000047;
	[dreg:$0x5] =	wrdreg s7  }
0x9: {  	[dreg:$0x6] =	wrdreg s8;
	s22 =	smul.u32 $0x2780, s5;
	s5 =	ssub.s32 $0x2, s5  }
0xa: {  	s7 =	smul.u32 $0x278, s19;
	[dreg:$0x7] =	wrdreg s21;
	s11 =	sshrl.u32 s5, $0x1  }
0xb: {  	s9 =	sshrl.u32 s9, $0x2;
	s6 =	sadd.s32 s6, s0;
	s0 =	sadd.s32 $0x66200, s0  }
0xc: {  	s8 =	sadd.s32 s7, s22;
	s5 =	ssub.s32 s5, s11;
	s9 =	sadd.s32 s9, s2  }
0xd: {  	s14 =	sadd.s32 $0x80, s7;
	s11 =	simm.s32 $0x80;
	s23 =	sadd.s32 $0x80, s8  }
0xe: {  	s12 =	sshll.u32 s8, $0x4;
	s25 =	sadd.s32 $0x100, s8;
	s26 =	sadd.s32 $0x180, s8  }
0xf: {  	s15 =	sadd.s32 $0x1F8, s8;
	s8 =	sshrl.u32 s8, $0x3;
	s30 =	smax.u32 s5, $0x1  }
0x10: {  	s5 =	simm.s32 $0x13F78;
	s13 =	sshll.u32 s23, $0x4;
	s12 =	sadd.s32 s10, s12  }
0x11: {  	s16 =	sshll.u32 s25, $0x4;
	s8 =	sadd.s32 s0, s8;
	[dreg:$0x8] =	wrdreg s12  }
0x12: {  	s17 =	sshll.u32 s26, $0x4;
	s24 =	sadd.s32 s10, s13;
	[dreg:$0xd] =	wrdreg s8  }
0x13: {  	s18 =	sshll.u32 s15, $0x4;
	s16 =	sadd.s32 s10, s16;
	[dreg:$0x9] =	wrdreg s24  }
0x14: {  	s20 =	sshrl.u32 s23, $0x3;
	s17 =	sadd.s32 s10, s17;
	[dreg:$0xa] =	wrdreg s16  }
0x15: {  	s21 =	sshrl.u32 s25, $0x3;
	s10 =	sadd.s32 s10, s18;
	[dreg:$0xb] =	wrdreg s17  }
0x16: {  	s25 =	sshrl.u32 s15, $0x3;
	s22 =	sadd.s32 s0, s20;
	[dreg:$0xc] =	wrdreg s10  }
0x17: {  	s15 =	sadd.s32 $0x100, s7;
	s23 =	sadd.s32 s0, s21;
	[dreg:$0xe] =	wrdreg s22  }
0x18: {  	s12 =	sshll.u32 s14, $0x7;
	s18 =	sadd.s32 $0x1F8, s7;
	[dreg:$0xf] =	wrdreg s23  }
0x19: {  	s24 =	sshrl.u32 s26, $0x3;
	s26 =	smul.u32 $0x500, s19;
	s19 =	sadd.s32 s0, s25  }
0x1a: {  	s20 =	sadd.s32 s12, s2;
	s16 =	sshll.u32 s15, $0x7;
	s17 =	sadd.s32 $0x180, s7  }
0x1b: {  	s29 =	sadd.s32 s18, s3;
	s10 =	simm.s32 $0x13EF8;
	s12 =	simm.s32 $0x1  }
0x1c: {  	s8 =	sadd.s32 s0, s24;
	s21 =	sadd.s32 s16, s2;
	s25 =	sshll.u32 s17, $0x7  }
0x1d: {  	s24 =	sadd.s32 s7, s3;
	s28 =	sadd.s32 s17, s3;
	s7 =	simm.s32 $0x17F78  }
0x1e: {  	[dreg:$0x10] =	wrdreg s8;
	s13 =	sadd.s32 s26, s6;
	s26 =	sshll.u32 s18, $0x7  }
0x1f: {  	s22 =	sadd.s32 s25, s2;
	s25 =	sadd.s32 s14, s3;
	s6 =	simm.s32 $0x2  }
0x20: {  	s8 =	simm.s32 $0x13E78;
	s23 =	sadd.s32 s26, s2;
	s26 =	sadd.s32 s15, s3  }
0x21: {  	s31 =	sadd.s32 $0x2600, s13;
	s0 =	sadd.s32 $0xC600, s13;
	s13 =	simm.s32 $0x0  }
.LBB2_1:
0x22: {  	s14 =	rddreg [dreg:$0x5]  }
0x23: {  	[tilespmem:s5], [sflag:$0x2] =	stream.linear.gather [hbm4b:s14+s4], $0x4000, $0x38;
	[tilespmem:$0x17FF8] =	vst v63  }
0x24: {  	_ =	swait.ge [sflag:s6], $0x4000  }
0x25: {  	[sflag:s6] =	ssyncset.done $0x0  }
0x26: {  	[sflag:s6] =	ssyncadd.s32 $0xFFFFC000  }
0x27: {  	[spmem:s9] =	stream.linear.scatter [tilespmem:s5], [sflag:$0x2], $0x4000, $0x38;
	[tilespmem:$0x17FF8] =	vst v63  }
0x28: {  	_ =	swait.ge [sflag:s6], $0x4000  }
0x29: {  	[sflag:s6] =	ssyncset.done $0x0  }
0x2a: {  	[sflag:s6] =	ssyncadd.s32 $0xFFFFC000  }
0x2b: {  	[spmem:s20] =	stream.linear.scatter [tilespmem:s5], [sflag:$0x2], $0x4000, $0x38;
	[tilespmem:$0x17FF8] =	vst v63  }
0x2c: {  	_ =	swait.ge [sflag:s6], $0x4000  }
0x2d: {  	[sflag:s6] =	ssyncset.done $0x0  }
0x2e: {  	[sflag:s6] =	ssyncadd.s32 $0xFFFFC000  }
0x2f: {  	[spmem:s21] =	stream.linear.scatter [tilespmem:s5], [sflag:$0x2], $0x4000, $0x38;
	[tilespmem:$0x17FF8] =	vst v63  }
0x30: {  	_ =	swait.ge [sflag:s6], $0x4000  }
0x31: {  	[sflag:s6] =	ssyncset.done $0x0  }
0x32: {  	[sflag:s6] =	ssyncadd.s32 $0xFFFFC000  }
0x33: {  	[spmem:s22] =	stream.linear.scatter [tilespmem:s5], [sflag:$0x2], $0x4000, $0x38;
	[tilespmem:$0x17FF8] =	vst v63  }
0x34: {  	_ =	swait.ge [sflag:s6], $0x4000  }
0x35: {  	[sflag:s6] =	ssyncset.done $0x0  }
0x36: {  	[sflag:s6] =	ssyncadd.s32 $0xFFFFC000  }
0x37: {  	[spmem:s23] =	stream.linear.scatter [tilespmem:s5], [sflag:$0x2], $0x4000, $0x38;
	[tilespmem:$0x17FF8] =	vst v63  }
0x38: {  	_ =	swait.ge [sflag:s6], $0x4000  }
0x39: {  	[sflag:s6] =	ssyncset.done $0x0  }
0x3a: {  	s15 =	rddreg [dreg:$0x6];
	[sflag:s6] =	ssyncadd.s32 $0xFFFFC000  }
0x3b: {  	[tilespmem:s7], [sflag:$0x2] =	stream.linear.gather [hbm4b:s15+s4], $0x80, $0x38;
	[tilespmem:$0x17FF8] =	vst v63  }
0x3c: {  	_ =	swait.ge [sflag:s6], $0x80  }
0x3d: {  	[sflag:s6] =	ssyncset.done $0x0  }
0x3e: {  	[sflag:s6] =	ssyncadd.s32 $0xFFFFFF80  }
0x3f: {  	[spmem:s24] =	stream.linear.scatter [tilespmem:s7], [sflag:$0x2], $0x80, $0x38;
	[tilespmem:$0x17FF8] =	vst v63  }
0x40: {  	_ =	swait.ge [sflag:s6], $0x80  }
0x41: {  	[sflag:s6] =	ssyncset.done $0x0  }
0x42: {  	[sflag:s6] =	ssyncadd.s32 $0xFFFFFF80  }
0x43: {  	[spmem:s25] =	stream.linear.scatter [tilespmem:s7], [sflag:$0x2], $0x80, $0x38;
	[tilespmem:$0x17FF8] =	vst v63  }
0x44: {  	_ =	swait.ge [sflag:s6], $0x80  }
0x45: {  	[sflag:s6] =	ssyncset.done $0x0  }
0x46: {  	[sflag:s6] =	ssyncadd.s32 $0xFFFFFF80  }
0x47: {  	[spmem:s26] =	stream.linear.scatter [tilespmem:s7], [sflag:$0x2], $0x80, $0x38;
	[tilespmem:$0x17FF8] =	vst v63  }
0x48: {  	_ =	swait.ge [sflag:s6], $0x80  }
0x49: {  	[sflag:s6] =	ssyncset.done $0x0  }
0x4a: {  	[sflag:s6] =	ssyncadd.s32 $0xFFFFFF80  }
0x4b: {  	[spmem:s28] =	stream.linear.scatter [tilespmem:s7], [sflag:$0x2], $0x80, $0x38;
	[tilespmem:$0x17FF8] =	vst v63  }
0x4c: {  	_ =	swait.ge [sflag:s6], $0x80  }
0x4d: {  	[sflag:s6] =	ssyncset.done $0x0  }
0x4e: {  	[sflag:s6] =	ssyncadd.s32 $0xFFFFFF80  }
0x4f: {  	[spmem:s29] =	stream.linear.scatter [tilespmem:s7], [sflag:$0x2], $0x80, $0x38;
	[tilespmem:$0x17FF8] =	vst v63  }
0x50: {  	_ =	swait.ge [sflag:s6], $0x80  }
0x51: {  	[sflag:s6] =	ssyncset.done $0x0  }
0x52: {  	s16 =	rddreg [dreg:$0x7];
	[sflag:s6] =	ssyncadd.s32 $0xFFFFFF80  }
0x53: {  	[tilespmem:s7], [sflag:$0x2] =	stream.linear.gather [hbm4b:s16+s4], $0x80, $0x38;
	[tilespmem:$0x17FF8] =	vst v63  }
0x54: {  	_ =	swait.ge [sflag:s6], $0x80  }
0x55: {  	[sflag:s6] =	ssyncset.done $0x0  }
0x56: {  	[sflag:s6] =	ssyncadd.s32 $0xFFFFFF80  }
0x57: {  	s17 =	sadd.s32 $0x0, s0;
	[bflag:$0x0] =	sbarrier.arrive $0xFFFF  }
0x58: {  	[tilespmem:s8], [sflag:$0x2] =	stream.linear.gather [hbm4b:s17+s4], $0x80, $0x38;
	[tilespmem:$0x17FF8] =	vst v63  }
0x59: {  	_ =	swait.ge [sflag:s6], $0x80  }
0x5a: {  	[sflag:s6] =	ssyncset.done $0x0  }
0x5b: {  	s18 =	sadd.s32 $0x0, s31;
	[sflag:s6] =	ssyncadd.s32 $0xFFFFFF80  }
0x5c: {  	[tilespmem:s10], [sflag:$0x2] =	stream.linear.gather [hbm4b:s18+s4], $0x80, $0x38;
	[tilespmem:$0x17FF8] =	vst v63  }
0x5d: {  	_ =	swait.ge [sflag:s6], $0x80  }
0x5e: {  	[sflag:s6] =	ssyncset.done $0x0  }
0x5f: {  	[sflag:s6] =	ssyncadd.s32 $0xFFFFFF80  }
0x60: {  	[tilespmem:s5], [sflag:$0x1] =	stream.indirect.gather [hbm4b:s1+s11], $0x80, s8, s11, $0xb8;
	[tilespmem:$0x17FF8] =	vst v63  }
0x61: {  	_ =	swait.ge [sflag:s12], $0x4000  }
0x62: {  	[sflag:s12] =	ssyncset.done $0x0  }
0x63: {  	[sflag:s12] =	ssyncadd.s32 $0xFFFFC000  }
0x64: {  	[spmem:s2] =	stream.indirect.scatter.add.f32 [tilespmem:s5], [sflag:$0x2], $0x80, s10, s11, $0xb8;
	[tilespmem:$0x17FF8] =	vst v63  }
0x65: {  	_ =	swait.ge [sflag:s6], $0x4000  }
0x66: {  	[sflag:s6] =	ssyncset.done $0x0  }
0x67: {  	[sflag:s6] =	ssyncadd.s32 $0xFFFFC000  }
0x68: {  	[spmem:s3] =	stream.indirect.scatter.add.f32 [tilespmem:s7], [sflag:$0x2], $0x1, s10, s11, $0xb8;
	[tilespmem:$0x17FF8] =	vst v63  }
0x69: {  	_ =	swait.ge [sflag:s6], $0x80  }
0x6a: {  	s14 =	simm.s32 $0x10;
	s15 =	simm.s32 $0x20;
	[sflag:s6] =	ssyncset.done $0x0  }
.LBB2_2:
0x6b: {  	s16 =	sadd.s32 s14, s0  }
0x6c: {  	[sflag:s6] =	ssyncadd.s32 $0xFFFFFF80;
	s17 =	smov.u32 s15;
	s18 =	sadd.s32 $0x10, s15  }
0x6d: {  	[tilespmem:s8], [sflag:$0x2] =	stream.linear.gather [hbm4b:s16+s4], $0x80, $0x38;
	[tilespmem:$0x17FF8] =	vst v63  }
0x6e: {  	p0 =	sne.s32 s15, $0x4F0;
	_ =	swait.ge [sflag:s6], $0x80  }
0x6f: {  	[sflag:s6] =	ssyncset.done $0x0  }
0x70: {  	s15 =	sadd.s32 s14, s31;
	s14 =	smov.u32 s17;
	[sflag:s6] =	ssyncadd.s32 $0xFFFFFF80  }
0x71: {  	[tilespmem:s10], [sflag:$0x2] =	stream.linear.gather [hbm4b:s15+s4], $0x80, $0x38;
	[tilespmem:$0x17FF8] =	vst v63  }
0x72: {  	_ =	swait.ge [sflag:s6], $0x80  }
0x73: {  	[sflag:s6] =	ssyncset.done $0x0  }
0x74: {  	[sflag:s6] =	ssyncadd.s32 $0xFFFFFF80  }
0x75: {  	[tilespmem:s5], [sflag:$0x1] =	stream.indirect.gather [hbm4b:s1+s11], $0x80, s8, s11, $0xb8;
	[tilespmem:$0x17FF8] =	vst v63  }
0x76: {  	_ =	swait.ge [sflag:s12], $0x4000  }
0x77: {  	[sflag:s12] =	ssyncset.done $0x0  }
0x78: {  	[sflag:s12] =	ssyncadd.s32 $0xFFFFC000  }
0x79: {  	[spmem:s2] =	stream.indirect.scatter.add.f32 [tilespmem:s5], [sflag:$0x2], $0x80, s10, s11, $0xb8;
	[tilespmem:$0x17FF8] =	vst v63  }
0x7a: {  	_ =	swait.ge [sflag:s6], $0x4000  }
.Ltmp0:
0x7b: {  	[sflag:s6] =	ssyncset.done $0x0;
	(pc) =	sbr.rel @p0 .LBB2_2-.Ltmp0, $4  }
0x7c: {  	[sflag:s6] =	ssyncadd.s32 $0xFFFFC000  }
0x7d: {  	[spmem:s3] =	stream.indirect.scatter.add.f32 [tilespmem:s7], [sflag:$0x2], $0x1, s10, s11, $0xb8;
	[tilespmem:$0x17FF8] =	vst v63  }
0x7e: {  	_ =	swait.ge [sflag:s6], $0x80  }
0x7f: {  	s15 =	smov.u32 s18;
	[sflag:s6] =	ssyncset.done $0x0  }
0x80: {  	s15 =	sadd.s32 s14, s0;
	[sflag:s6] =	ssyncadd.s32 $0xFFFFFF80  }
0x81: {  	[tilespmem:s8], [sflag:$0x2] =	stream.linear.gather [hbm4b:s15+s4], $0x80, $0x38;
	[tilespmem:$0x17FF8] =	vst v63  }
0x82: {  	_ =	swait.ge [sflag:s6], $0x80  }
0x83: {  	[sflag:s6] =	ssyncset.done $0x0  }
0x84: {  	s17 =	sadd.s32 s14, s31;
	[sflag:s6] =	ssyncadd.s32 $0xFFFFFF80  }
0x85: {  	[tilespmem:s10], [sflag:$0x2] =	stream.linear.gather [hbm4b:s17+s4], $0x80, $0x38;
	[tilespmem:$0x17FF8] =	vst v63  }
0x86: {  	_ =	swait.ge [sflag:s6], $0x80  }
0x87: {  	[sflag:s6] =	ssyncset.done $0x0  }
0x88: {  	[sflag:s6] =	ssyncadd.s32 $0xFFFFFF80  }
0x89: {  	[tilespmem:s5], [sflag:$0x1] =	stream.indirect.gather [hbm4b:s1+s11], $0x80, s8, s11, $0xb8;
	[tilespmem:$0x17FF8] =	vst v63  }
0x8a: {  	_ =	swait.ge [sflag:s12], $0x4000  }
0x8b: {  	[sflag:s12] =	ssyncset.done $0x0  }
0x8c: {  	[sflag:s12] =	ssyncadd.s32 $0xFFFFC000  }
0x8d: {  	[spmem:s2] =	stream.indirect.scatter.add.f32 [tilespmem:s5], [sflag:$0x2], $0x80, s10, s11, $0xb8;
	[tilespmem:$0x17FF8] =	vst v63  }
0x8e: {  	_ =	swait.ge [sflag:s6], $0x4000  }
0x8f: {  	[sflag:s6] =	ssyncset.done $0x0  }
0x90: {  	[sflag:s6] =	ssyncadd.s32 $0xFFFFC000  }
0x91: {  	[spmem:s3] =	stream.indirect.scatter.add.f32 [tilespmem:s7], [sflag:$0x2], $0x1, s10, s11, $0xb8;
	[tilespmem:$0x17FF8] =	vst v63  }
0x92: {  	_ =	swait.ge [sflag:s6], $0x80  }
0x93: {  	[sflag:s6] =	ssyncset.done $0x0  }
0x94: {  	[sflag:s6] =	ssyncadd.s32 $0xFFFFFF80  }
0x95: {  	[bflag:$0x0] =	sbarrier.arrive $0xFFFF  }
0x96: {  	[tilespmem:s5], [sflag:$0x2] =	stream.linear.gather [spmem:s9], $0x4000, $0x38;
	[tilespmem:$0x17FF8] =	vst v63  }
0x97: {  	_ =	swait.ge [sflag:s6], $0x4000  }
0x98: {  	[sflag:s6] =	ssyncset.done $0x0  }
0x99: {  	s18 =	rddreg [dreg:$0x8];
	[sflag:s6] =	ssyncadd.s32 $0xFFFFC000  }
0x9a: {  	[hbm4b:s18+s4] =	stream.linear.scatter [tilespmem:s5], [sflag:$0x2], $0x4000, $0x38;
	[tilespmem:$0x17FF8] =	vst v63  }
0x9b: {  	_ =	swait.ge [sflag:s6], $0x4000  }
0x9c: {  	[sflag:s6] =	ssyncset.done $0x0  }
0x9d: {  	[sflag:s6] =	ssyncadd.s32 $0xFFFFC000  }
0x9e: {  	[tilespmem:s5], [sflag:$0x2] =	stream.linear.gather [spmem:s20], $0x4000, $0x38;
	[tilespmem:$0x17FF8] =	vst v63  }
0x9f: {  	_ =	swait.ge [sflag:s6], $0x4000  }
0xa0: {  	[sflag:s6] =	ssyncset.done $0x0  }
0xa1: {  	s15 =	rddreg [dreg:$0x9];
	[sflag:s6] =	ssyncadd.s32 $0xFFFFC000  }
0xa2: {  	[hbm4b:s15+s4] =	stream.linear.scatter [tilespmem:s5], [sflag:$0x2], $0x4000, $0x38;
	[tilespmem:$0x17FF8] =	vst v63  }
0xa3: {  	_ =	swait.ge [sflag:s6], $0x4000  }
0xa4: {  	[sflag:s6] =	ssyncset.done $0x0  }
0xa5: {  	[sflag:s6] =	ssyncadd.s32 $0xFFFFC000  }
0xa6: {  	[tilespmem:s5], [sflag:$0x2] =	stream.linear.gather [spmem:s21], $0x4000, $0x38;
	[tilespmem:$0x17FF8] =	vst v63  }
0xa7: {  	_ =	swait.ge [sflag:s6], $0x4000  }
0xa8: {  	[sflag:s6] =	ssyncset.done $0x0  }
0xa9: {  	s16 =	rddreg [dreg:$0xa];
	[sflag:s6] =	ssyncadd.s32 $0xFFFFC000  }
0xaa: {  	[hbm4b:s16+s4] =	stream.linear.scatter [tilespmem:s5], [sflag:$0x2], $0x4000, $0x38;
	[tilespmem:$0x17FF8] =	vst v63  }
0xab: {  	_ =	swait.ge [sflag:s6], $0x4000  }
0xac: {  	[sflag:s6] =	ssyncset.done $0x0  }
0xad: {  	[sflag:s6] =	ssyncadd.s32 $0xFFFFC000  }
0xae: {  	[tilespmem:s5], [sflag:$0x2] =	stream.linear.gather [spmem:s22], $0x4000, $0x38;
	[tilespmem:$0x17FF8] =	vst v63  }
0xaf: {  	_ =	swait.ge [sflag:s6], $0x4000  }
0xb0: {  	[sflag:s6] =	ssyncset.done $0x0  }
0xb1: {  	s17 =	rddreg [dreg:$0xb];
	[sflag:s6] =	ssyncadd.s32 $0xFFFFC000  }
0xb2: {  	[hbm4b:s17+s4] =	stream.linear.scatter [tilespmem:s5], [sflag:$0x2], $0x4000, $0x38;
	[tilespmem:$0x17FF8] =	vst v63  }
0xb3: {  	_ =	swait.ge [sflag:s6], $0x4000  }
0xb4: {  	[sflag:s6] =	ssyncset.done $0x0  }
0xb5: {  	[sflag:s6] =	ssyncadd.s32 $0xFFFFC000  }
0xb6: {  	[tilespmem:s5], [sflag:$0x2] =	stream.linear.gather [spmem:s23], $0x4000, $0x38;
	[tilespmem:$0x17FF8] =	vst v63  }
0xb7: {  	_ =	swait.ge [sflag:s6], $0x4000  }
0xb8: {  	[sflag:s6] =	ssyncset.done $0x0  }
0xb9: {  	s18 =	rddreg [dreg:$0xc];
	[sflag:s6] =	ssyncadd.s32 $0xFFFFC000  }
0xba: {  	[hbm4b:s18+s4] =	stream.linear.scatter [tilespmem:s5], [sflag:$0x2], $0x4000, $0x38;
	[tilespmem:$0x17FF8] =	vst v63  }
0xbb: {  	_ =	swait.ge [sflag:s6], $0x4000  }
0xbc: {  	[sflag:s6] =	ssyncset.done $0x0  }
0xbd: {  	[sflag:s6] =	ssyncadd.s32 $0xFFFFC000  }
0xbe: {  	[tilespmem:s7], [sflag:$0x2] =	stream.linear.gather [spmem:s24], $0x80, $0x38;
	[tilespmem:$0x17FF8] =	vst v63  }
0xbf: {  	_ =	swait.ge [sflag:s6], $0x80  }
0xc0: {  	[sflag:s6] =	ssyncset.done $0x0  }
0xc1: {  	s15 =	rddreg [dreg:$0xd];
	[sflag:s6] =	ssyncadd.s32 $0xFFFFFF80  }
0xc2: {  	[hbm4b:s15+s4] =	stream.linear.scatter [tilespmem:s7], [sflag:$0x2], $0x80, $0x38;
	[tilespmem:$0x17FF8] =	vst v63  }
0xc3: {  	_ =	swait.ge [sflag:s6], $0x80  }
0xc4: {  	[sflag:s6] =	ssyncset.done $0x0  }
0xc5: {  	[sflag:s6] =	ssyncadd.s32 $0xFFFFFF80  }
0xc6: {  	[tilespmem:s7], [sflag:$0x2] =	stream.linear.gather [spmem:s25], $0x80, $0x38;
	[tilespmem:$0x17FF8] =	vst v63  }
0xc7: {  	_ =	swait.ge [sflag:s6], $0x80  }
0xc8: {  	[sflag:s6] =	ssyncset.done $0x0  }
0xc9: {  	s16 =	rddreg [dreg:$0xe];
	[sflag:s6] =	ssyncadd.s32 $0xFFFFFF80  }
0xca: {  	[hbm4b:s16+s4] =	stream.linear.scatter [tilespmem:s7], [sflag:$0x2], $0x80, $0x38;
	[tilespmem:$0x17FF8] =	vst v63  }
0xcb: {  	_ =	swait.ge [sflag:s6], $0x80  }
0xcc: {  	[sflag:s6] =	ssyncset.done $0x0  }
0xcd: {  	[sflag:s6] =	ssyncadd.s32 $0xFFFFFF80  }
0xce: {  	[tilespmem:s7], [sflag:$0x2] =	stream.linear.gather [spmem:s26], $0x80, $0x38;
	[tilespmem:$0x17FF8] =	vst v63  }
0xcf: {  	_ =	swait.ge [sflag:s6], $0x80  }
0xd0: {  	[sflag:s6] =	ssyncset.done $0x0  }
0xd1: {  	s17 =	rddreg [dreg:$0xf];
	[sflag:s6] =	ssyncadd.s32 $0xFFFFFF80  }
0xd2: {  	[hbm4b:s17+s4] =	stream.linear.scatter [tilespmem:s7], [sflag:$0x2], $0x80, $0x38;
	[tilespmem:$0x17FF8] =	vst v63  }
0xd3: {  	_ =	swait.ge [sflag:s6], $0x80  }
0xd4: {  	[sflag:s6] =	ssyncset.done $0x0  }
0xd5: {  	[sflag:s6] =	ssyncadd.s32 $0xFFFFFF80  }
0xd6: {  	[tilespmem:s7], [sflag:$0x2] =	stream.linear.gather [spmem:s28], $0x80, $0x38;
	[tilespmem:$0x17FF8] =	vst v63  }
0xd7: {  	_ =	swait.ge [sflag:s6], $0x80  }
0xd8: {  	[sflag:s6] =	ssyncset.done $0x0  }
0xd9: {  	s18 =	rddreg [dreg:$0x10];
	[sflag:s6] =	ssyncadd.s32 $0xFFFFFF80  }
0xda: {  	[hbm4b:s18+s4] =	stream.linear.scatter [tilespmem:s7], [sflag:$0x2], $0x80, $0x38;
	[tilespmem:$0x17FF8] =	vst v63  }
0xdb: {  	_ =	swait.ge [sflag:s6], $0x80  }
0xdc: {  	[sflag:s6] =	ssyncset.done $0x0  }
0xdd: {  	[sflag:s6] =	ssyncadd.s32 $0xFFFFFF80  }
0xde: {  	[tilespmem:s7], [sflag:$0x2] =	stream.linear.gather [spmem:s29], $0x80, $0x38;
	[tilespmem:$0x17FF8] =	vst v63  }
0xdf: {  	s13 =	sadd.s32 $0x1, s13;
	_ =	swait.ge [sflag:s6], $0x80  }
0xe0: {  	p0 =	sne.s32 s13, s30;
	[sflag:s6] =	ssyncset.done $0x0  }
.Ltmp1:
0xe1: {  	[sflag:s6] =	ssyncadd.s32 $0xFFFFFF80;
	(pc) =	sbr.rel @p0 .LBB2_1-.Ltmp1, $4  }
0xe2: {  	[hbm4b:s19+s4] =	stream.linear.scatter [tilespmem:s7], [sflag:$0x2], $0x80, $0x38;
	[tilespmem:$0x17FF8] =	vst v63  }
0xe3: {  	_ =	swait.ge [sflag:s6], $0x80  }
0xe4: {  	[sflag:s6] =	ssyncset.done $0x0  }
0xe5: {  	[sflag:s6] =	ssyncadd.s32 $0xFFFFFF80  }
0xe6: {  	_ =	sfence.sel $0x180000  }
0xe7: {  	[bflag:$0x0] =	sbarrier.arrive $0xFFFF  }
0xe8: {  	_ =	strace $0x90000047  }
0xe9: {  	s0 =	stileid.u32;
	[bflag:$0x2] =	sbarrier.arrive $0xFFFF  }
0xea: {  	p0 =	sne.s32 s0, $0x0;
	s0 =	rddreg [dreg:$0x4]  }
0xeb: {  	s0 =	sadd.s32 @!p0 $0x100000, s0  }
0xec: {  	[sflag:s0] =	ssyncadd.tile.s32 @!p0 $0x1;
	_ =	shalt  }
.Lfunc_end2:
_tile_overlayer_lowered:
.L_overlay_start_2:
0xed: {  	(tag) =	ssettag $0x2  }
0xee: {  	s0 =	rddreg [dreg:$0x0];
	s2 =	stileid.u32  }
0xef: {  	s1 =	rddreg [dreg:$0x1];
	p0 =	sne.s32 s2, $0x0  }
0xf0: {  	s3 =	rddreg [dreg:$0x2];
	[bflag:$0x3] =	sbarrier.arrive $0xFFFF;
	s2 =	simm.s32 @!p0 $0x1C02  }
0xf1: {  	[timem:s3], [sflag:s2] =	dma.local @!p0 [hbm:s0], s1  }
0xf2: {  	s0 =	simm.s32 @!p0 $0x2  }
0xf3: {  	_ =	swait.ge @!p0 [sflag:s0], s1  }
0xf4: {  	s1 =	ssub.s32 @!p0 $0x0, s1;
	[sflag:s0] =	ssyncset.done @!p0 $0x0  }
0xf5: {  	[sflag:s0] =	ssyncadd.s32 @!p0 s1  }
0xf6: {  	[bflag:$0x3] =	sbarrier.arrive $0xFFFF  }
0xf7: {  	_ =	shalt  }

</sc_bundles>
